<compile_context>
chip_gen: v7x
topology: tpu7x:2x2x1
jax: 0.10.2.dev20260603
libtpu: 0.0.44.dev20260713+nightly
codegen_flags: <defaults>
</compile_context>

<pallas_src>
import functools

import jax
import jax.numpy as jnp
from jax import lax
from jax.experimental import pallas as pl
from jax.experimental.pallas import tpu as pltpu
from jax.experimental.pallas import tpu_sc as plsc

_B, _N, _S = 8, 4096, 512
_KS = (16, 32, 64)
_D = 48
_F32 = jnp.float32



def _fps_body(x_ref, y_ref, z_ref, nx_ref, ny_ref, nz_ref):
    B, N = x_ref.shape
    S = nx_ref.shape[1]
    x = x_ref[...]
    y = y_ref[...]
    z = z_ref[...]
    lane = lax.broadcasted_iota(jnp.int32, (B, N), 1)
    col = lax.broadcasted_iota(jnp.int32, (B, S), 1)
    zero = jnp.zeros((B, N), _F32)

    def body(i, c):
        far, dist, nx, ny, nz = c
        onehot = lane == far
        sx = jnp.sum(jnp.where(onehot, x, zero), axis=1, keepdims=True)
        sy = jnp.sum(jnp.where(onehot, y, zero), axis=1, keepdims=True)
        sz = jnp.sum(jnp.where(onehot, z, zero), axis=1, keepdims=True)
        hit = col == i
        nx = jnp.where(hit, sx, nx)
        ny = jnp.where(hit, sy, ny)
        nz = jnp.where(hit, sz, nz)
        dx = x - sx
        dy = y - sy
        dz = z - sz
        d = dx * dx + dy * dy
        d = d + dz * dz
        dist = jnp.minimum(dist, d)
        m = jnp.max(dist, axis=1, keepdims=True)
        far = jnp.min(jnp.where(dist == m, lane, N), axis=1, keepdims=True)
        return far, dist, nx, ny, nz

    far0 = jnp.zeros((B, 1), jnp.int32)
    dist0 = jnp.full((B, N), jnp.inf, _F32)
    zS = jnp.zeros((B, S), _F32)
    _, _, nx, ny, nz = lax.fori_loop(0, S, body, (far0, dist0, zS, zS, zS))
    nx_ref[...] = nx
    ny_ref[...] = ny
    nz_ref[...] = nz


def _fps(x, y, z):
    B, N = x.shape
    out = jax.ShapeDtypeStruct((B, _S), _F32)
    return pl.pallas_call(
        _fps_body,
        out_shape=(out, out, out),
    )(x, y, z)



def _knn_body(x_ref, y_ref, z_ref, nx_ref, ny_ref, nz_ref, idx_ref,
              dist_ref):
    N = x_ref.shape[-1]
    S = nx_ref.shape[1]
    K = idx_ref.shape[-1]
    x = x_ref[0]
    y = y_ref[0]
    z = z_ref[0]
    nx = nx_ref[0]
    ny = ny_ref[0]
    nz = nz_ref[0]
    rnd = lambda a: a.astype(jnp.bfloat16).astype(_F32)
    cross = rnd(nx) * rnd(x) + rnd(ny) * rnd(y) + rnd(nz) * rnd(z)
    nsq = nx * nx + ny * ny + nz * nz
    msq = x * x + y * y + z * z
    dist_ref[...] = (-2.0 * cross + nsq) + msq
    lane = lax.broadcasted_iota(jnp.int32, (S, N), 1)
    colK = lax.broadcasted_iota(jnp.int32, (S, K), 1)
    big = jnp.full((S, N), N, jnp.int32)
    inf = jnp.full((S, N), jnp.inf, _F32)

    E = 8

    def body(g, acc):
        d = dist_ref[...]
        for j in range(E):
            m = jnp.min(d, axis=1, keepdims=True)
            ix = jnp.min(jnp.where(d == m, lane, big), axis=1, keepdims=True)
            acc = jnp.where(colK == g * E + j, ix, acc)
            d = jnp.where(lane == ix, inf, d)
        dist_ref[...] = d
        return acc

    acc = lax.fori_loop(0, K // E, body, jnp.zeros((S, K), jnp.int32))
    idx_ref[0] = acc


def _knn(x, y, z, nx, ny, nz, K):
    B, N = x.shape
    S = nx.shape[1]
    r3 = lambda a: a.reshape(B, 1, N)
    n3 = lambda a: a.reshape(B, S, 1)
    row_spec = pl.BlockSpec((1, 1, N), lambda b: (b, 0, 0))
    col_spec = pl.BlockSpec((1, S, 1), lambda b: (b, 0, 0))
    return pl.pallas_call(
        _knn_body,
        grid=(B,),
        in_specs=[row_spec] * 3 + [col_spec] * 3,
        out_specs=pl.BlockSpec((1, S, K), lambda b: (b, 0, 0)),
        out_shape=jax.ShapeDtypeStruct((B, S, K), jnp.int32),
        scratch_shapes=[
            pltpu.VMEM((S, N), _F32),
        ],
    )(r3(x), r3(y), r3(z), n3(nx), n3(ny), n3(nz))



_GATHER_CHUNK = 128


def _sc_gather(table, idx):
    R = idx.shape[0]
    D = table.shape[1]
    info = plsc.get_sparse_core_info()
    nw = info.num_cores * info.num_subcores
    b_per_w = R // nw
    n_ch = b_per_w // _GATHER_CHUNK
    mesh = plsc.VectorSubcoreMesh(core_axis_name="c", subcore_axis_name="s")

    CH = _GATHER_CHUNK

    @functools.partial(
        pl.kernel,
        mesh=mesh,
        out_type=jax.ShapeDtypeStruct((R, D), _F32),
        compiler_params=pltpu.CompilerParams(use_tc_tiling_on_sc=False),
        scratch_types=[
            pltpu.VMEM((b_per_w,), jnp.int32),
            pltpu.VMEM((CH, D), _F32),
            pltpu.VMEM((CH, D), _F32),
            pltpu.SemaphoreType.DMA,
            pltpu.SemaphoreType.DMA,
            pltpu.SemaphoreType.DMA,
            pltpu.SemaphoreType.DMA,
        ],
    )
    def k(table_hbm, idx_hbm, out_hbm, idx_v, rows0, rows1,
          gs0, gs1, os0, os1):
        wid = lax.axis_index("s") * info.num_cores + lax.axis_index("c")
        base = wid * b_per_w
        pltpu.sync_copy(idx_hbm.at[pl.ds(base, b_per_w)], idx_v)
        rows = (rows0, rows1)
        gsem = (gs0, gs1)
        osem = (os0, os1)
        for b in range(2):
            pltpu.async_copy(table_hbm.at[idx_v.at[pl.ds(b * CH, CH)]],
                             rows[b], gsem[b])

        def body(i, _):
            for b in range(2):
                j = i * 2 + b
                off = base + j * CH
                pltpu.make_async_copy(
                    table_hbm.at[idx_v.at[pl.ds(j * CH, CH)]],
                    rows[b], gsem[b]).wait()
                cp = pltpu.async_copy(rows[b], out_hbm.at[pl.ds(off, CH)],
                                      osem[b])
                cp.wait()

                @pl.when(j + 2 < n_ch)
                def _():
                    pltpu.async_copy(
                        table_hbm.at[idx_v.at[pl.ds((j + 2) * CH, CH)]],
                        rows[b], gsem[b])

            return 0

        lax.fori_loop(0, n_ch // 2, body, 0)

    return k(table, idx)



_HI = lax.Precision.DEFAULT


def _pass_a_body(g_ref, nx_ref, w_ref, z_ref, s_ref, q_ref):
    sc, K, D = g_ref.shape
    g = g_ref[...]
    nx = nx_ref[...]
    xg = (g - nx[:, None, :]).reshape(sc * K, D)
    z = lax.dot_general(xg, w_ref[...], (((1,), (0,)), ((), ())),
                        preferred_element_type=_F32, precision=_HI)
    z_ref[...] = z.astype(jnp.bfloat16)

    @pl.when(pl.program_id(0) == 0)
    def _():
        s_ref[...] = jnp.zeros_like(s_ref)
        q_ref[...] = jnp.zeros_like(q_ref)

    s_ref[0:1, :] = s_ref[0:1, :] + jnp.sum(z, axis=0, keepdims=True)
    q_ref[0:1, :] = q_ref[0:1, :] + jnp.sum(z * z, axis=0, keepdims=True)


def _pass_a(g_all, nxp, w1p, K):
    BS = g_all.shape[0]
    C1 = w1p.shape[1]
    sc = 128
    steps = BS // sc
    stat = jax.ShapeDtypeStruct((8, C1), _F32)
    return pl.pallas_call(
        _pass_a_body,
        grid=(steps,),
        in_specs=[
            pl.BlockSpec((sc, K, _D), lambda g: (g, 0, 0)),
            pl.BlockSpec((sc, _D), lambda g: (g, 0)),
            pl.BlockSpec((_D, C1), lambda g: (0, 0)),
        ],
        out_specs=[
            pl.BlockSpec((sc * K, C1), lambda g: (g, 0)),
            pl.BlockSpec((8, C1), lambda g: (0, 0)),
            pl.BlockSpec((8, C1), lambda g: (0, 0)),
        ],
        out_shape=[
            jax.ShapeDtypeStruct((BS * K, C1), jnp.bfloat16),
            stat, stat,
        ],
    )(g_all, nxp, w1p)


def _pass_bc_body(z_ref, ac_ref, w_ref, b_ref, o_ref, s_ref, q_ref):
    ac = ac_ref[...]
    a = ac[0:1, :]
    c = ac[1:2, :]
    yy = jnp.maximum(z_ref[...].astype(_F32) * a + c, 0.0)
    z2 = lax.dot_general(yy, w_ref[...], (((1,), (0,)), ((), ())),
                         preferred_element_type=_F32, precision=_HI)
    z2 = z2 + b_ref[0:1, :]
    o_ref[...] = z2.astype(jnp.bfloat16)

    @pl.when(pl.program_id(0) == 0)
    def _():
        s_ref[...] = jnp.zeros_like(s_ref)
        q_ref[...] = jnp.zeros_like(q_ref)

    s_ref[0:1, :] = s_ref[0:1, :] + jnp.sum(z2, axis=0, keepdims=True)
    q_ref[0:1, :] = q_ref[0:1, :] + jnp.sum(z2 * z2, axis=0, keepdims=True)


def _pass_bc(zin, ac, wt, b):
    P, C1 = zin.shape
    C2 = wt.shape[1]
    R = 2048
    steps = P // R
    bp = jnp.zeros((8, C2), _F32).at[0].set(b)
    stat = jax.ShapeDtypeStruct((8, C2), _F32)
    return pl.pallas_call(
        _pass_bc_body,
        grid=(steps,),
        in_specs=[
            pl.BlockSpec((R, C1), lambda g: (g, 0)),
            pl.BlockSpec((8, C1), lambda g: (0, 0)),
            pl.BlockSpec((C1, C2), lambda g: (0, 0)),
            pl.BlockSpec((8, C2), lambda g: (0, 0)),
        ],
        out_specs=[
            pl.BlockSpec((R, C2), lambda g: (g, 0)),
            pl.BlockSpec((8, C2), lambda g: (0, 0)),
            pl.BlockSpec((8, C2), lambda g: (0, 0)),
        ],
        out_shape=[
            jax.ShapeDtypeStruct((P, C2), jnp.bfloat16),
            stat, stat,
        ],
    )(zin, ac, wt, bp)


def _pass_c_body(z_ref, ac_ref, w_ref, b_ref, o_ref, s_ref, q_ref):
    sc, K, C1 = z_ref.shape
    C2 = w_ref.shape[1]
    ac = ac_ref[...]
    a = ac[0:1, :].reshape(1, 1, C1)
    c = ac[1:2, :].reshape(1, 1, C1)
    yy = jnp.maximum(z_ref[...].astype(_F32) * a + c, 0.0).reshape(sc * K, C1)
    z2 = lax.dot_general(yy, w_ref[...], (((1,), (0,)), ((), ())),
                         preferred_element_type=_F32, precision=_HI)
    z2 = z2 + b_ref[0:1, :]

    @pl.when(pl.program_id(0) == 0)
    def _():
        s_ref[...] = jnp.zeros_like(s_ref)
        q_ref[...] = jnp.zeros_like(q_ref)

    s_ref[0:1, :] = s_ref[0:1, :] + jnp.sum(z2, axis=0, keepdims=True)
    q_ref[0:1, :] = q_ref[0:1, :] + jnp.sum(z2 * z2, axis=0, keepdims=True)
    o_ref[...] = jnp.max(z2.reshape(sc, K, C2), axis=1)


def _pass_c(zin, ac, wt, b, K):
    P, C1 = zin.shape
    BS = P // K
    C2 = wt.shape[1]
    sc = 128
    steps = BS // sc
    bp = jnp.zeros((8, C2), _F32).at[0].set(b)
    stat = jax.ShapeDtypeStruct((8, C2), _F32)
    return pl.pallas_call(
        _pass_c_body,
        grid=(steps,),
        in_specs=[
            pl.BlockSpec((sc, K, C1), lambda g: (g, 0, 0)),
            pl.BlockSpec((8, C1), lambda g: (0, 0)),
            pl.BlockSpec((C1, C2), lambda g: (0, 0)),
            pl.BlockSpec((8, C2), lambda g: (0, 0)),
        ],
        out_specs=[
            pl.BlockSpec((sc, C2), lambda g: (g, 0)),
            pl.BlockSpec((8, C2), lambda g: (0, 0)),
            pl.BlockSpec((8, C2), lambda g: (0, 0)),
        ],
        out_shape=[
            jax.ShapeDtypeStruct((BS, C2), _F32),
            stat, stat,
        ],
    )(zin.reshape(BS, K, C1), ac, wt, bp)


def _pass_d_body(z_ref, ac_ref, o_ref):
    C = z_ref.shape[1]
    ac = ac_ref[...]
    a = ac[0:1, :]
    c = ac[1:2, :]
    o_ref[...] = jnp.maximum(z_ref[...] * a + c, 0.0)


def _pass_d(zmax, ac):
    BS, C3 = zmax.shape
    sc = 1024
    steps = BS // sc
    return pl.pallas_call(
        _pass_d_body,
        grid=(steps,),
        in_specs=[
            pl.BlockSpec((sc, C3), lambda g: (g, 0)),
            pl.BlockSpec((8, C3), lambda g: (0, 0)),
        ],
        out_specs=pl.BlockSpec((sc, C3), lambda g: (g, 0)),
        out_shape=jax.ShapeDtypeStruct((BS, C3), _F32),
    )(zmax, ac)


def _bn_ac(s, q, count, gamma, beta):
    mean = s[0] / count
    var = jnp.maximum(q[0] / count - mean * mean, 0.0)
    a = gamma / jnp.sqrt(var + 1e-5)
    c = beta - mean * a
    return jnp.zeros((8, a.shape[0]), _F32).at[0].set(a).at[1].set(c)



def kernel(xyz, points, params):
    B, _, N = xyz.shape
    S = _S
    x = xyz[:, 0, :]
    y = xyz[:, 1, :]
    z = xyz[:, 2, :]
    nx, ny, nz = _fps(x, y, z)
    idx64 = _knn(x, y, z, nx, ny, nz, _KS[-1])

    pts_t = jnp.transpose(points, (0, 2, 1))
    xyz_t = jnp.transpose(xyz, (0, 2, 1))
    pad = jnp.zeros((B, N, _D - 35), _F32)
    table = jnp.concatenate([pts_t, xyz_t, pad], axis=2).reshape(B * N, _D)
    offs = (jnp.arange(B, dtype=jnp.int32) * N)[:, None, None]
    flat_idx = (idx64 + offs).reshape(-1)
    g_all = _sc_gather(table, flat_idx).reshape(B * S, _KS[-1], _D)

    nxp = jnp.zeros((B * S, _D), _F32)
    nxp = nxp.at[:, 32].set(nx.reshape(-1))
    nxp = nxp.at[:, 33].set(ny.reshape(-1))
    nxp = nxp.at[:, 34].set(nz.reshape(-1))
    nxp = nxp.at[:, 35].set(-1.0)

    outs = []
    for i, K in enumerate(_KS):
        (W1, b1, g1, be1), (W2, b2, g2, be2), (W3, b3, g3, be3) = params[i]
        C1 = W1.shape[0]
        w1p = jnp.zeros((_D, C1), _F32).at[:35, :].set(W1.T).at[35, :].set(b1)
        count = B * S * K
        z1, s1, q1 = _pass_a(g_all, nxp, w1p, K)
        ac1 = _bn_ac(s1, q1, count, g1, be1)
        z2, s2, q2 = _pass_bc(z1, ac1, W2.T, b2)
        ac2 = _bn_ac(s2, q2, count, g2, be2)
        zmax, s3, q3 = _pass_c(z2, ac2, W3.T, b3, K)
        ac3 = _bn_ac(s3, q3, count, g3, be3)
        o = _pass_d(zmax, ac3)
        outs.append(o.reshape(B, S, -1).transpose(0, 2, 1))

    new_xyz_out = jnp.stack([nx, ny, nz], axis=1)
    return (new_xyz_out, jnp.concatenate(outs, axis=1))

# --- scband reference (transcript-rebuilt; emitter-appended) ---
"""Pipeline reference for scband-point-net-set-abstraction-msg-39316130627753 (READ-ONLY COPY).

The authoritative reference and input builder live on the scoring server;
editing this copy changes nothing except your own understanding.
"""

import jax, jax.numpy as jnp
import numpy as np

N_POINT = 512
N_SAMPLE_LIST = [16, 32, 64]
IN_CHANNEL = 32
MLP_LIST = [[32, 32, 64], [64, 64, 128], [64, 96, 128]]


def fps(xyz, n_point):
    B, N, C = xyz.shape
    batch_idx = jnp.arange(B)

    def body(i, state):
        samples, distance, farthest = state
        samples = samples.at[:, i].set(farthest)
        sampled = xyz[batch_idx, farthest, :][:, None, :]
        dist = jnp.sum((xyz - sampled) ** 2, axis=2)
        distance = jnp.minimum(distance, dist)
        farthest = jnp.argmax(distance, axis=-1).astype(jnp.int32)
        return (samples, distance, farthest)

    samples0 = jnp.zeros((B, n_point), dtype=jnp.int32)
    dist0 = jnp.full((B, N), jnp.inf, dtype=jnp.float32)
    far0 = jnp.zeros((B,), dtype=jnp.int32)
    samples, _, _ = jax.lax.fori_loop(0, n_point, body, (samples0, dist0, far0))
    return samples


def gather_points(points, idx):
    # points [B, N, C], idx [B, ...] -> [B, ..., C]
    return jax.vmap(lambda p, i: p[i])(points, idx)


def knn(k, xyz, new_xyz):
    src = new_xyz[:, :, 0:3]
    dst = xyz[:, :, 0:3]
    cross = jnp.matmul(src, jnp.transpose(dst, (0, 2, 1)))
    n_sq = jnp.sum(src ** 2, axis=2, keepdims=True)
    m_sq = jnp.sum(dst ** 2, axis=2, keepdims=True)
    dist = -2.0 * cross + n_sq + jnp.transpose(m_sq, (0, 2, 1))
    _, idx = jax.lax.top_k(-dist, k)
    return idx


def setup_inputs(seed: int = 0):
    key = jax.random.key(seed)
    k1, k2, k3 = jax.random.split(key, 3)
    B, N = 8, 4096
    xyz = jax.random.normal(k1, (B, 3, N), dtype=jnp.float32)
    points = jax.random.normal(k2, (B, IN_CHANNEL, N), dtype=jnp.float32)
    params = []
    kk = k3
    for mlp in MLP_LIST:
        last = IN_CHANNEL + 3
        block = []
        for out_ch in mlp:
            kk, kw = jax.random.split(kk, 2)
            W = jax.random.normal(kw, (out_ch, last), dtype=jnp.float32) * (1.0 / np.sqrt(last))
            b = jnp.zeros((out_ch,), dtype=jnp.float32)
            gamma = jnp.ones((out_ch,), dtype=jnp.float32)
            beta = jnp.zeros((out_ch,), dtype=jnp.float32)
            block.append((W, b, gamma, beta))
            last = out_ch
        params.append(block)
    return {"xyz": xyz, "points": points, "params": params}


def _forward(xyz, points, params):
    xyz = jnp.transpose(xyz, (0, 2, 1))
    points = jnp.transpose(points, (0, 2, 1))
    B, N, C = xyz.shape
    S = N_POINT
    index = fps(jax.lax.stop_gradient(xyz), S)
    new_xyz = gather_points(xyz, index)
    new_points_list = []
    for i, K in enumerate(N_SAMPLE_LIST):
        group_idx = knn(K, jax.lax.stop_gradient(xyz), jax.lax.stop_gradient(new_xyz))
        grouped_xyz = gather_points(xyz, group_idx)
        grouped_xyz = grouped_xyz - new_xyz[:, :, None, :]
        grouped_points = gather_points(points, group_idx)
        grouped_points = jnp.concatenate([grouped_points, grouped_xyz], axis=-1)
        g = jnp.transpose(grouped_points, (0, 3, 2, 1))  # [B, Cin, K, S]
        for (W, b, gamma, beta) in params[i]:
            g = jnp.einsum('oi,biks->boks', W, g) + b[None, :, None, None]
            mean = jnp.mean(g, axis=(0, 2, 3), keepdims=True)
            var = jnp.var(g, axis=(0, 2, 3), keepdims=True)
            g = (g - mean) / jnp.sqrt(var + 1e-5)
            g = g * gamma[None, :, None, None] + beta[None, :, None, None]
            g = jax.nn.relu(g)
        new_points = jnp.max(g, axis=2)
        new_points_list.append(new_points)
    new_xyz_out = jnp.transpose(new_xyz, (0, 2, 1))
    new_points_concat = jnp.concatenate(new_points_list, axis=1)
    return (new_xyz_out, new_points_concat)


def reference(xyz, points, params):
    return _forward(xyz, points, params)

if __name__ == "__main__":
    import jax
    _d = setup_inputs()
    print(jax.jit(kernel)(*tuple(_d.values())))

</pallas_src>

<mosaic_0001>
#map = affine_map<(d0, d1) -> (0, 0)>
#map1 = affine_map<(d0, d1) -> (0)>
module attributes {stable_mosaic.version = 14 : i64} {
  func.func @k(%arg0: i32, %arg1: i32, %arg2: memref<32768x48xf32, #tpu.memory_space<hbm>>, %arg3: memref<262144xi32, #tpu.memory_space<hbm>>, %arg4: memref<262144x48xf32, #tpu.memory_space<hbm>>, %arg5: memref<8192xi32, #tpu.memory_space<vmem>>, %arg6: memref<128x48xf32, #tpu.memory_space<vmem>>, %arg7: memref<128x48xf32, #tpu.memory_space<vmem>>, %arg8: memref<!tpu.dma_semaphore, #tpu.memory_space<semaphore_mem>>, %arg9: memref<!tpu.dma_semaphore, #tpu.memory_space<semaphore_mem>>, %arg10: memref<!tpu.dma_semaphore, #tpu.memory_space<semaphore_mem>>, %arg11: memref<!tpu.dma_semaphore, #tpu.memory_space<semaphore_mem>>) attributes {dimension_semantics = [#tpu.dimension_semantics<core_parallel>, #tpu.dimension_semantics<subcore_parallel>], iteration_bounds = array<i64: 2, 16>, scalar_prefetch = 0 : i64, scratch_operands = 7 : i64, tpu.core_type = #tpu.core_type<sc_vector_subcore>, window_params = [{transform_indices = #map}, {transform_indices = #map1}, {transform_indices = #map}]} {
    %mul3A = arith.constant 2 : i32
    %mul3A_0 = arith.muli %arg1, %mul3A : i32
    %add3A = arith.addi %mul3A_0, %arg0 : i32
    %mul3A_1 = arith.constant 8192 : i32
    %mul3A_2 = arith.muli %add3A, %mul3A_1 : i32
    "tpu.region"() ({
      %run_scoped3A = tpu.sem_alloc : memref<!tpu.dma_semaphore, #tpu.memory_space<semaphore_mem>>
      %dma_start3A_18 = tpu.memref_slice %arg3[%mul3A_2] : memref<262144xi32, #tpu.memory_space<hbm>> -> memref<8192xi32, #tpu.memory_space<hbm>>
      %dma_start3A_19 = tpu.memref_slice %arg3[%mul3A_2] : memref<262144xi32, #tpu.memory_space<hbm>> -> memref<8192xi32, #tpu.memory_space<hbm>>
      tpu.enqueue_dma source(%dma_start3A_19 : memref<8192xi32, #tpu.memory_space<hbm>>) target(%arg5 : memref<8192xi32, #tpu.memory_space<vmem>>) target_semaphore(%run_scoped3A : memref<!tpu.dma_semaphore, #tpu.memory_space<semaphore_mem>>)
      %dma_wait3A = tpu.memref_slice %arg3[%mul3A_2] : memref<262144xi32, #tpu.memory_space<hbm>> -> memref<8192xi32, #tpu.memory_space<hbm>>
      %dma_wait3A_20 = tpu.memref_slice %arg3[%mul3A_2] : memref<262144xi32, #tpu.memory_space<hbm>> -> memref<8192xi32, #tpu.memory_space<hbm>>
      tpu.wait_dma2 semaphore(%run_scoped3A : memref<!tpu.dma_semaphore, #tpu.memory_space<semaphore_mem>>) src(%dma_wait3A_20 : memref<8192xi32, #tpu.memory_space<hbm>>) dst(%arg5 : memref<8192xi32, #tpu.memory_space<vmem>>)
      tpu.yield
    }) : () -> ()
    %dma_start3A = arith.constant 0 : i32
    %dma_start3A_3 = tpu.memref_slice %arg5[%dma_start3A] : memref<8192xi32, #tpu.memory_space<vmem>> -> memref<128xi32, #tpu.memory_space<vmem>>
    %dma_start3A_4 = arith.constant 0 : i32
    %dma_start3A_5 = arith.constant 0 : i32
    %dma_start3A_6 = tpu.memref_slice %arg2[%dma_start3A_4, %dma_start3A_5] : memref<32768x48xf32, #tpu.memory_space<hbm>> -> memref<32768x48xf32, #tpu.memory_space<hbm>>
    tpu.enqueue_indirect_dma source(%dma_start3A_6 : memref<32768x48xf32, #tpu.memory_space<hbm>>) target(%arg6 : memref<128x48xf32, #tpu.memory_space<vmem>>) offsets(%dma_start3A_3 : memref<128xi32, #tpu.memory_space<vmem>>) semaphore(%arg8 : memref<!tpu.dma_semaphore, #tpu.memory_space<semaphore_mem>>)
    %dma_start3A_7 = arith.constant 128 : i32
    %dma_start3A_8 = tpu.memref_slice %arg5[%dma_start3A_7] : memref<8192xi32, #tpu.memory_space<vmem>> -> memref<128xi32, #tpu.memory_space<vmem>>
    %dma_start3A_9 = arith.constant 0 : i32
    %dma_start3A_10 = arith.constant 0 : i32
    %dma_start3A_11 = tpu.memref_slice %arg2[%dma_start3A_9, %dma_start3A_10] : memref<32768x48xf32, #tpu.memory_space<hbm>> -> memref<32768x48xf32, #tpu.memory_space<hbm>>
    tpu.enqueue_indirect_dma source(%dma_start3A_11 : memref<32768x48xf32, #tpu.memory_space<hbm>>) target(%arg7 : memref<128x48xf32, #tpu.memory_space<vmem>>) offsets(%dma_start3A_8 : memref<128xi32, #tpu.memory_space<vmem>>) semaphore(%arg9 : memref<!tpu.dma_semaphore, #tpu.memory_space<semaphore_mem>>)
    %scan3A = arith.constant 0 : i32
    %scan3A_12 = arith.constant 0 : i32
    %scan3A_13 = arith.constant 32 : i32
    %scan3A_14 = arith.addi %scan3A_12, %scan3A_13 : i32
    %scan3A_15 = arith.constant 1 : i32
    %scan3A_16 = scf.for %scan3A_18 = %scan3A_12 to %scan3A_14 step %scan3A_15 iter_args(%scan3A_19 = %scan3A) -> (i32)  : i32 {
      %mul3A_20 = arith.constant 2 : i32
      %mul3A_21 = arith.muli %scan3A_18, %mul3A_20 : i32
      %add3A_22 = arith.constant 0 : i32
      %add3A_23 = arith.addi %mul3A_21, %add3A_22 : i32
      %mul3A_24 = arith.constant 128 : i32
      %mul3A_25 = arith.muli %add3A_23, %mul3A_24 : i32
      %add3A_26 = arith.addi %mul3A_2, %mul3A_25 : i32
      %mul3A_27 = arith.constant 128 : i32
      %mul3A_28 = arith.muli %add3A_23, %mul3A_27 : i32
      %dma_wait3A = tpu.memref_slice %arg5[%mul3A_28] : memref<8192xi32, #tpu.memory_space<vmem>> -> memref<128xi32, #tpu.memory_space<vmem>>
      %dma_wait3A_29 = arith.constant 0 : i32
      %dma_wait3A_30 = arith.constant 0 : i32
      %dma_wait3A_31 = tpu.memref_slice %arg2[%dma_wait3A_29, %dma_wait3A_30] : memref<32768x48xf32, #tpu.memory_space<hbm>> -> memref<32768x48xf32, #tpu.memory_space<hbm>>
      tpu.wait_indirect_dma semaphore(%arg8 : memref<!tpu.dma_semaphore, #tpu.memory_space<semaphore_mem>>) src(%dma_wait3A_31 : memref<32768x48xf32, #tpu.memory_space<hbm>>) dst(%arg6 : memref<128x48xf32, #tpu.memory_space<vmem>>)
      %dma_start3A_32 = arith.constant 0 : i32
      %dma_start3A_33 = tpu.memref_slice %arg4[%add3A_26, %dma_start3A_32] : memref<262144x48xf32, #tpu.memory_space<hbm>> -> memref<128x48xf32, #tpu.memory_space<hbm>>
      %dma_start3A_34 = arith.constant 0 : i32
      %dma_start3A_35 = tpu.memref_slice %arg4[%add3A_26, %dma_start3A_34] : memref<262144x48xf32, #tpu.memory_space<hbm>> -> memref<128x48xf32, #tpu.memory_space<hbm>>
      tpu.enqueue_dma source(%arg6 : memref<128x48xf32, #tpu.memory_space<vmem>>) target(%dma_start3A_35 : memref<128x48xf32, #tpu.memory_space<hbm>>) target_semaphore(%arg10 : memref<!tpu.dma_semaphore, #tpu.memory_space<semaphore_mem>>)
      %dma_wait3A_36 = arith.constant 0 : i32
      %dma_wait3A_37 = tpu.memref_slice %arg4[%add3A_26, %dma_wait3A_36] : memref<262144x48xf32, #tpu.memory_space<hbm>> -> memref<128x48xf32, #tpu.memory_space<hbm>>
      %dma_wait3A_38 = arith.constant 0 : i32
      %dma_wait3A_39 = tpu.memref_slice %arg4[%add3A_26, %dma_wait3A_38] : memref<262144x48xf32, #tpu.memory_space<hbm>> -> memref<128x48xf32, #tpu.memory_space<hbm>>
      tpu.wait_dma2 semaphore(%arg10 : memref<!tpu.dma_semaphore, #tpu.memory_space<semaphore_mem>>) src(%arg6 : memref<128x48xf32, #tpu.memory_space<vmem>>) dst(%dma_wait3A_39 : memref<128x48xf32, #tpu.memory_space<hbm>>)
      %add3A_40 = arith.constant 2 : i32
      %add3A_41 = arith.addi %add3A_23, %add3A_40 : i32
      %lt3A = arith.constant 64 : i32
      %lt3A_42 = arith.cmpi slt, %add3A_41, %lt3A : i32
      %convert_element_type3A = arith.extui %lt3A_42 : i1 to i32
      %cond3A = arith.constant 0 : i32
      %cond3A_43 = arith.cmpi ne, %convert_element_type3A, %cond3A : i32
      scf.if %cond3A_43 {
        %add3A_73 = arith.constant 2 : i32
        %add3A_74 = arith.addi %add3A_23, %add3A_73 : i32
        %mul3A_75 = arith.constant 128 : i32
        %mul3A_76 = arith.muli %add3A_74, %mul3A_75 : i32
        %dma_start3A_77 = tpu.memref_slice %arg5[%mul3A_76] : memref<8192xi32, #tpu.memory_space<vmem>> -> memref<128xi32, #tpu.memory_space<vmem>>
        %dma_start3A_78 = arith.constant 0 : i32
        %dma_start3A_79 = arith.constant 0 : i32
        %dma_start3A_80 = tpu.memref_slice %arg2[%dma_start3A_78, %dma_start3A_79] : memref<32768x48xf32, #tpu.memory_space<hbm>> -> memref<32768x48xf32, #tpu.memory_space<hbm>>
        tpu.enqueue_indirect_dma source(%dma_start3A_80 : memref<32768x48xf32, #tpu.memory_space<hbm>>) target(%arg6 : memref<128x48xf32, #tpu.memory_space<vmem>>) offsets(%dma_start3A_77 : memref<128xi32, #tpu.memory_space<vmem>>) semaphore(%arg8 : memref<!tpu.dma_semaphore, #tpu.memory_space<semaphore_mem>>)
      } else {
      }
      %mul3A_44 = arith.constant 2 : i32
      %mul3A_45 = arith.muli %scan3A_18, %mul3A_44 : i32
      %add3A_46 = arith.constant 1 : i32
      %add3A_47 = arith.addi %mul3A_45, %add3A_46 : i32
      %mul3A_48 = arith.constant 128 : i32
      %mul3A_49 = arith.muli %add3A_47, %mul3A_48 : i32
      %add3A_50 = arith.addi %mul3A_2, %mul3A_49 : i32
      %mul3A_51 = arith.constant 128 : i32
      %mul3A_52 = arith.muli %add3A_47, %mul3A_51 : i32
      %dma_wait3A_53 = tpu.memref_slice %arg5[%mul3A_52] : memref<8192xi32, #tpu.memory_space<vmem>> -> memref<128xi32, #tpu.memory_space<vmem>>
      %dma_wait3A_54 = arith.constant 0 : i32
      %dma_wait3A_55 = arith.constant 0 : i32
      %dma_wait3A_56 = tpu.memref_slice %arg2[%dma_wait3A_54, %dma_wait3A_55] : memref<32768x48xf32, #tpu.memory_space<hbm>> -> memref<32768x48xf32, #tpu.memory_space<hbm>>
      tpu.wait_indirect_dma semaphore(%arg9 : memref<!tpu.dma_semaphore, #tpu.memory_space<semaphore_mem>>) src(%dma_wait3A_56 : memref<32768x48xf32, #tpu.memory_space<hbm>>) dst(%arg7 : memref<128x48xf32, #tpu.memory_space<vmem>>)
      %dma_start3A_57 = arith.constant 0 : i32
      %dma_start3A_58 = tpu.memref_slice %arg4[%add3A_50, %dma_start3A_57] : memref<262144x48xf32, #tpu.memory_space<hbm>> -> memref<128x48xf32, #tpu.memory_space<hbm>>
      %dma_start3A_59 = arith.constant 0 : i32
      %dma_start3A_60 = tpu.memref_slice %arg4[%add3A_50, %dma_start3A_59] : memref<262144x48xf32, #tpu.memory_space<hbm>> -> memref<128x48xf32, #tpu.memory_space<hbm>>
      tpu.enqueue_dma source(%arg7 : memref<128x48xf32, #tpu.memory_space<vmem>>) target(%dma_start3A_60 : memref<128x48xf32, #tpu.memory_space<hbm>>) target_semaphore(%arg11 : memref<!tpu.dma_semaphore, #tpu.memory_space<semaphore_mem>>)
      %dma_wait3A_61 = arith.constant 0 : i32
      %dma_wait3A_62 = tpu.memref_slice %arg4[%add3A_50, %dma_wait3A_61] : memref<262144x48xf32, #tpu.memory_space<hbm>> -> memref<128x48xf32, #tpu.memory_space<hbm>>
      %dma_wait3A_63 = arith.constant 0 : i32
      %dma_wait3A_64 = tpu.memref_slice %arg4[%add3A_50, %dma_wait3A_63] : memref<262144x48xf32, #tpu.memory_space<hbm>> -> memref<128x48xf32, #tpu.memory_space<hbm>>
      tpu.wait_dma2 semaphore(%arg11 : memref<!tpu.dma_semaphore, #tpu.memory_space<semaphore_mem>>) src(%arg7 : memref<128x48xf32, #tpu.memory_space<vmem>>) dst(%dma_wait3A_64 : memref<128x48xf32, #tpu.memory_space<hbm>>)
      %add3A_65 = arith.constant 2 : i32
      %add3A_66 = arith.addi %add3A_47, %add3A_65 : i32
      %lt3A_67 = arith.constant 64 : i32
      %lt3A_68 = arith.cmpi slt, %add3A_66, %lt3A_67 : i32
      %convert_element_type3A_69 = arith.extui %lt3A_68 : i1 to i32
      %cond3A_70 = arith.constant 0 : i32
      %cond3A_71 = arith.cmpi ne, %convert_element_type3A_69, %cond3A_70 : i32
      scf.if %cond3A_71 {
        %add3A_73 = arith.constant 2 : i32
        %add3A_74 = arith.addi %add3A_47, %add3A_73 : i32
        %mul3A_75 = arith.constant 128 : i32
        %mul3A_76 = arith.muli %add3A_74, %mul3A_75 : i32
        %dma_start3A_77 = tpu.memref_slice %arg5[%mul3A_76] : memref<8192xi32, #tpu.memory_space<vmem>> -> memref<128xi32, #tpu.memory_space<vmem>>
        %dma_start3A_78 = arith.constant 0 : i32
        %dma_start3A_79 = arith.constant 0 : i32
        %dma_start3A_80 = tpu.memref_slice %arg2[%dma_start3A_78, %dma_start3A_79] : memref<32768x48xf32, #tpu.memory_space<hbm>> -> memref<32768x48xf32, #tpu.memory_space<hbm>>
        tpu.enqueue_indirect_dma source(%dma_start3A_80 : memref<32768x48xf32, #tpu.memory_space<hbm>>) target(%arg7 : memref<128x48xf32, #tpu.memory_space<vmem>>) offsets(%dma_start3A_77 : memref<128xi32, #tpu.memory_space<vmem>>) semaphore(%arg9 : memref<!tpu.dma_semaphore, #tpu.memory_space<semaphore_mem>>)
      } else {
      }
      %scan3A_72 = arith.constant 0 : i32
      scf.yield %scan3A_72 : i32
    }
    %scan3A_17 = arith.constant 32 : i32
    return
  }
}

module attributes {stable_mosaic.version = 14 : i64} {
  func.func @_fps_body(%arg0: memref<8x4096xf32, #tpu.memory_space<vmem>>, %arg1: memref<8x4096xf32, #tpu.memory_space<vmem>>, %arg2: memref<8x4096xf32, #tpu.memory_space<vmem>>, %arg3: memref<8x512xf32, #tpu.memory_space<vmem>>, %arg4: memref<8x512xf32, #tpu.memory_space<vmem>>, %arg5: memref<8x512xf32, #tpu.memory_space<vmem>>) attributes {dimension_semantics = [], scalar_prefetch = 0 : i64, scratch_operands = 0 : i64, tpu.core_type = #tpu.core_type<tc>} {
    %get3A = arith.constant 0 : index
    %get3A_0 = arith.constant 0 : index
    %get3A_1 = vector.load %arg0[%get3A, %get3A_0] : memref<8x4096xf32, #tpu.memory_space<vmem>>, vector<8x4096xf32>
    %get3A_2 = arith.constant 0 : index
    %get3A_3 = arith.constant 0 : index
    %get3A_4 = vector.load %arg1[%get3A_2, %get3A_3] : memref<8x4096xf32, #tpu.memory_space<vmem>>, vector<8x4096xf32>
    %get3A_5 = arith.constant 0 : index
    %get3A_6 = arith.constant 0 : index
    %get3A_7 = vector.load %arg2[%get3A_5, %get3A_6] : memref<8x4096xf32, #tpu.memory_space<vmem>>, vector<8x4096xf32>
    %iota3A = tpu.iota {dimensions = array<i32: 1>} : vector<8x4096xi32>
    %iota3A_8 = tpu.iota {dimensions = array<i32: 1>} : vector<8x512xi32>
    %broadcast_in_dim3A = arith.constant 0.000000e+00 : f32
    %broadcast_in_dim3A_9 = vector.broadcast %broadcast_in_dim3A : f32 to vector<8x4096xf32>
    %broadcast_in_dim3A_10 = arith.constant 0 : i32
    %broadcast_in_dim3A_11 = vector.broadcast %broadcast_in_dim3A_10 : i32 to vector<8x1xi32>
    %broadcast_in_dim3A_12 = arith.constant 0x7F800000 : f32
    %broadcast_in_dim3A_13 = vector.broadcast %broadcast_in_dim3A_12 : f32 to vector<8x4096xf32>
    %broadcast_in_dim3A_14 = arith.constant 0.000000e+00 : f32
    %broadcast_in_dim3A_15 = vector.broadcast %broadcast_in_dim3A_14 : f32 to vector<8x512xf32>
    %scan3A = arith.constant 0 : i32
    %scan3A_16 = arith.constant 512 : i32
    %scan3A_17 = arith.addi %scan3A, %scan3A_16 : i32
    %scan3A_18 = arith.constant 1 : i32
    %scan3A_19:5 = scf.for %scan3A_29 = %scan3A to %scan3A_17 step %scan3A_18 iter_args(%scan3A_30 = %broadcast_in_dim3A_11, %scan3A_31 = %broadcast_in_dim3A_13, %scan3A_32 = %broadcast_in_dim3A_15, %scan3A_33 = %broadcast_in_dim3A_15, %scan3A_34 = %broadcast_in_dim3A_15) -> (vector<8x1xi32>, vector<8x4096xf32>, vector<8x512xf32>, vector<8x512xf32>, vector<8x512xf32>)  : i32 {
      %eq3A = vector.broadcast %scan3A_30 : vector<8x1xi32> to vector<8x4096xi32>
      %eq3A_35 = arith.cmpi eq, %iota3A, %eq3A : vector<8x4096xi32>
      %select_n3A = arith.select %eq3A_35, %get3A_1, %broadcast_in_dim3A_9 : vector<8x4096xi1>, vector<8x4096xf32>
      %reduce_sum3A = arith.constant dense<0.000000e+00> : vector<8xf32>
      %reduce_sum3A_36 = vector.multi_reduction <add>, %select_n3A, %reduce_sum3A [1] : vector<8x4096xf32> to vector<8xf32>
      %broadcast_in_dim3A_37 = vector.shape_cast %reduce_sum3A_36 : vector<8xf32> to vector<8x1xf32>
      %select_n3A_38 = arith.select %eq3A_35, %get3A_4, %broadcast_in_dim3A_9 : vector<8x4096xi1>, vector<8x4096xf32>
      %reduce_sum3A_39 = arith.constant dense<0.000000e+00> : vector<8xf32>
      %reduce_sum3A_40 = vector.multi_reduction <add>, %select_n3A_38, %reduce_sum3A_39 [1] : vector<8x4096xf32> to vector<8xf32>
      %broadcast_in_dim3A_41 = vector.shape_cast %reduce_sum3A_40 : vector<8xf32> to vector<8x1xf32>
      %select_n3A_42 = arith.select %eq3A_35, %get3A_7, %broadcast_in_dim3A_9 : vector<8x4096xi1>, vector<8x4096xf32>
      %reduce_sum3A_43 = arith.constant dense<0.000000e+00> : vector<8xf32>
      %reduce_sum3A_44 = vector.multi_reduction <add>, %select_n3A_42, %reduce_sum3A_43 [1] : vector<8x4096xf32> to vector<8xf32>
      %broadcast_in_dim3A_45 = vector.shape_cast %reduce_sum3A_44 : vector<8xf32> to vector<8x1xf32>
      %eq3A_46 = vector.broadcast %scan3A_29 : i32 to vector<8x512xi32>
      %eq3A_47 = arith.cmpi eq, %iota3A_8, %eq3A_46 : vector<8x512xi32>
      %broadcast_in_dim3A_48 = vector.shape_cast %broadcast_in_dim3A_37 : vector<8x1xf32> to vector<8x1xf32>
      %broadcast_in_dim3A_49 = vector.broadcast %broadcast_in_dim3A_48 : vector<8x1xf32> to vector<8x512xf32>
      %select_n3A_50 = arith.select %eq3A_47, %broadcast_in_dim3A_49, %scan3A_32 : vector<8x512xi1>, vector<8x512xf32>
      %broadcast_in_dim3A_51 = vector.shape_cast %broadcast_in_dim3A_41 : vector<8x1xf32> to vector<8x1xf32>
      %broadcast_in_dim3A_52 = vector.broadcast %broadcast_in_dim3A_51 : vector<8x1xf32> to vector<8x512xf32>
      %select_n3A_53 = arith.select %eq3A_47, %broadcast_in_dim3A_52, %scan3A_33 : vector<8x512xi1>, vector<8x512xf32>
      %broadcast_in_dim3A_54 = vector.shape_cast %broadcast_in_dim3A_45 : vector<8x1xf32> to vector<8x1xf32>
      %broadcast_in_dim3A_55 = vector.broadcast %broadcast_in_dim3A_54 : vector<8x1xf32> to vector<8x512xf32>
      %select_n3A_56 = arith.select %eq3A_47, %broadcast_in_dim3A_55, %scan3A_34 : vector<8x512xi1>, vector<8x512xf32>
      %sub3A = vector.broadcast %broadcast_in_dim3A_37 : vector<8x1xf32> to vector<8x4096xf32>
      %sub3A_57 = arith.subf %get3A_1, %sub3A : vector<8x4096xf32>
      %sub3A_58 = vector.broadcast %broadcast_in_dim3A_41 : vector<8x1xf32> to vector<8x4096xf32>
      %sub3A_59 = arith.subf %get3A_4, %sub3A_58 : vector<8x4096xf32>
      %sub3A_60 = vector.broadcast %broadcast_in_dim3A_45 : vector<8x1xf32> to vector<8x4096xf32>
      %sub3A_61 = arith.subf %get3A_7, %sub3A_60 : vector<8x4096xf32>
      %mul3A = arith.mulf %sub3A_57, %sub3A_57 : vector<8x4096xf32>
      %mul3A_62 = arith.mulf %sub3A_59, %sub3A_59 : vector<8x4096xf32>
      %add3A = arith.addf %mul3A, %mul3A_62 : vector<8x4096xf32>
      %mul3A_63 = arith.mulf %sub3A_61, %sub3A_61 : vector<8x4096xf32>
      %add3A_64 = arith.addf %add3A, %mul3A_63 : vector<8x4096xf32>
      %min3A = arith.minimumf %scan3A_31, %add3A_64 : vector<8x4096xf32>
      %reduce_max3A = arith.constant dense<0xFF800000> : vector<8xf32>
      %reduce_max3A_65 = vector.multi_reduction <maximumf>, %min3A, %reduce_max3A [1] : vector<8x4096xf32> to vector<8xf32>
      %broadcast_in_dim3A_66 = vector.shape_cast %reduce_max3A_65 : vector<8xf32> to vector<8x1xf32>
      %eq3A_67 = vector.broadcast %broadcast_in_dim3A_66 : vector<8x1xf32> to vector<8x4096xf32>
      %eq3A_68 = arith.cmpf oeq, %min3A, %eq3A_67 : vector<8x4096xf32>
      %jit3A = arith.constant 4096 : i32
      %broadcast_in_dim3A_69 = vector.broadcast %jit3A : i32 to vector<8x4096xi32>
      %select_n3A_70 = arith.select %eq3A_68, %iota3A, %broadcast_in_dim3A_69 : vector<8x4096xi1>, vector<8x4096xi32>
      %reduce_min3A = arith.constant dense<2147483647> : vector<8xi32>
      %reduce_min3A_71 = vector.multi_reduction <minsi>, %select_n3A_70, %reduce_min3A [1] : vector<8x4096xi32> to vector<8xi32>
      %broadcast_in_dim3A_72 = vector.shape_cast %reduce_min3A_71 : vector<8xi32> to vector<8x1xi32>
      scf.yield %broadcast_in_dim3A_72, %min3A, %select_n3A_50, %select_n3A_53, %select_n3A_56 : vector<8x1xi32>, vector<8x4096xf32>, vector<8x512xf32>, vector<8x512xf32>, vector<8x512xf32>
    }
    %scan3A_20 = arith.constant 512 : i32
    %swap3A = arith.constant 0 : index
    %swap3A_21 = arith.constant 0 : index
    %swap3A_22 = vector.load %arg3[%swap3A, %swap3A_21] : memref<8x512xf32, #tpu.memory_space<vmem>>, vector<8x512xf32>
    tpu.vector_store %arg3[%swap3A, %swap3A_21], %scan3A_19#2 {strides = array<i32>} : memref<8x512xf32, #tpu.memory_space<vmem>>, vector<8x512xf32>,
    %swap3A_23 = arith.constant 0 : index
    %swap3A_24 = arith.constant 0 : index
    %swap3A_25 = vector.load %arg4[%swap3A_23, %swap3A_24] : memref<8x512xf32, #tpu.memory_space<vmem>>, vector<8x512xf32>
    tpu.vector_store %arg4[%swap3A_23, %swap3A_24], %scan3A_19#3 {strides = array<i32>} : memref<8x512xf32, #tpu.memory_space<vmem>>, vector<8x512xf32>,
    %swap3A_26 = arith.constant 0 : index
    %swap3A_27 = arith.constant 0 : index
    %swap3A_28 = vector.load %arg5[%swap3A_26, %swap3A_27] : memref<8x512xf32, #tpu.memory_space<vmem>>, vector<8x512xf32>
    tpu.vector_store %arg5[%swap3A_26, %swap3A_27], %scan3A_19#4 {strides = array<i32>} : memref<8x512xf32, #tpu.memory_space<vmem>>, vector<8x512xf32>,
    return
  }
}

module attributes {stable_mosaic.version = 14 : i64} {
  func.func @_knn_body(%arg0: i32, %arg1: memref<1x1x4096xf32, #tpu.memory_space<vmem>>, %arg2: memref<1x1x4096xf32, #tpu.memory_space<vmem>>, %arg3: memref<1x1x4096xf32, #tpu.memory_space<vmem>>, %arg4: memref<1x512x1xf32, #tpu.memory_space<vmem>>, %arg5: memref<1x512x1xf32, #tpu.memory_space<vmem>>, %arg6: memref<1x512x1xf32, #tpu.memory_space<vmem>>, %arg7: memref<1x512x64xi32, #tpu.memory_space<vmem>>, %arg8: memref<512x4096xf32, #tpu.memory_space<vmem>>) attributes {dimension_semantics = [#tpu.dimension_semantics<arbitrary>], iteration_bounds = array<i64: 8>, scalar_prefetch = 0 : i64, scratch_operands = 1 : i64, tpu.core_type = #tpu.core_type<tc>, window_params = [{transform_indices = @transform_0, window_bounds = array<i64: 1, 1, 4096>}, {transform_indices = @transform_1, window_bounds = array<i64: 1, 1, 4096>}, {transform_indices = @transform_2, window_bounds = array<i64: 1, 1, 4096>}, {transform_indices = @transform_3, window_bounds = array<i64: 1, 512, 1>}, {transform_indices = @transform_4, window_bounds = array<i64: 1, 512, 1>}, {transform_indices = @transform_5, window_bounds = array<i64: 1, 512, 1>}, {transform_indices = @transform_6, window_bounds = array<i64: 1, 512, 64>}]} {
    %get3A = arith.constant 0 : index
    %get3A_0 = arith.constant 0 : index
    %get3A_1 = arith.constant 0 : index
    %get3A_2 = vector.load %arg1[%get3A, %get3A_0, %get3A_1] : memref<1x1x4096xf32, #tpu.memory_space<vmem>>, vector<1x1x4096xf32>
    %get3A_3 = vector.shape_cast %get3A_2 : vector<1x1x4096xf32> to vector<1x4096xf32>
    %get3A_4 = arith.constant 0 : index
    %get3A_5 = arith.constant 0 : index
    %get3A_6 = arith.constant 0 : index
    %get3A_7 = vector.load %arg2[%get3A_4, %get3A_5, %get3A_6] : memref<1x1x4096xf32, #tpu.memory_space<vmem>>, vector<1x1x4096xf32>
    %get3A_8 = vector.shape_cast %get3A_7 : vector<1x1x4096xf32> to vector<1x4096xf32>
    %get3A_9 = arith.constant 0 : index
    %get3A_10 = arith.constant 0 : index
    %get3A_11 = arith.constant 0 : index
    %get3A_12 = vector.load %arg3[%get3A_9, %get3A_10, %get3A_11] : memref<1x1x4096xf32, #tpu.memory_space<vmem>>, vector<1x1x4096xf32>
    %get3A_13 = vector.shape_cast %get3A_12 : vector<1x1x4096xf32> to vector<1x4096xf32>
    %get3A_14 = arith.constant 0 : index
    %get3A_15 = arith.constant 0 : index
    %get3A_16 = arith.constant 0 : index
    %get3A_17 = vector.load %arg4[%get3A_14, %get3A_15, %get3A_16] : memref<1x512x1xf32, #tpu.memory_space<vmem>>, vector<1x512x1xf32>
    %get3A_18 = vector.shape_cast %get3A_17 : vector<1x512x1xf32> to vector<512x1xf32>
    %get3A_19 = arith.constant 0 : index
    %get3A_20 = arith.constant 0 : index
    %get3A_21 = arith.constant 0 : index
    %get3A_22 = vector.load %arg5[%get3A_19, %get3A_20, %get3A_21] : memref<1x512x1xf32, #tpu.memory_space<vmem>>, vector<1x512x1xf32>
    %get3A_23 = vector.shape_cast %get3A_22 : vector<1x512x1xf32> to vector<512x1xf32>
    %get3A_24 = arith.constant 0 : index
    %get3A_25 = arith.constant 0 : index
    %get3A_26 = arith.constant 0 : index
    %get3A_27 = vector.load %arg6[%get3A_24, %get3A_25, %get3A_26] : memref<1x512x1xf32, #tpu.memory_space<vmem>>, vector<1x512x1xf32>
    %get3A_28 = vector.shape_cast %get3A_27 : vector<1x512x1xf32> to vector<512x1xf32>
    %convert_element_type3A = arith.truncf %get3A_18 : vector<512x1xf32> to vector<512x1xbf16>
    %convert_element_type3A_29 = arith.extf %convert_element_type3A : vector<512x1xbf16> to vector<512x1xf32>
    %convert_element_type3A_30 = arith.truncf %get3A_3 : vector<1x4096xf32> to vector<1x4096xbf16>
    %convert_element_type3A_31 = arith.extf %convert_element_type3A_30 : vector<1x4096xbf16> to vector<1x4096xf32>
    %mul3A = vector.broadcast %convert_element_type3A_29 : vector<512x1xf32> to vector<512x4096xf32>
    %mul3A_32 = vector.broadcast %convert_element_type3A_31 : vector<1x4096xf32> to vector<512x4096xf32>
    %mul3A_33 = arith.mulf %mul3A, %mul3A_32 : vector<512x4096xf32>
    %convert_element_type3A_34 = arith.truncf %get3A_23 : vector<512x1xf32> to vector<512x1xbf16>
    %convert_element_type3A_35 = arith.extf %convert_element_type3A_34 : vector<512x1xbf16> to vector<512x1xf32>
    %convert_element_type3A_36 = arith.truncf %get3A_8 : vector<1x4096xf32> to vector<1x4096xbf16>
    %convert_element_type3A_37 = arith.extf %convert_element_type3A_36 : vector<1x4096xbf16> to vector<1x4096xf32>
    %mul3A_38 = vector.broadcast %convert_element_type3A_35 : vector<512x1xf32> to vector<512x4096xf32>
    %mul3A_39 = vector.broadcast %convert_element_type3A_37 : vector<1x4096xf32> to vector<512x4096xf32>
    %mul3A_40 = arith.mulf %mul3A_38, %mul3A_39 : vector<512x4096xf32>
    %add3A = arith.addf %mul3A_33, %mul3A_40 : vector<512x4096xf32>
    %convert_element_type3A_41 = arith.truncf %get3A_28 : vector<512x1xf32> to vector<512x1xbf16>
    %convert_element_type3A_42 = arith.extf %convert_element_type3A_41 : vector<512x1xbf16> to vector<512x1xf32>
    %convert_element_type3A_43 = arith.truncf %get3A_13 : vector<1x4096xf32> to vector<1x4096xbf16>
    %convert_element_type3A_44 = arith.extf %convert_element_type3A_43 : vector<1x4096xbf16> to vector<1x4096xf32>
    %mul3A_45 = vector.broadcast %convert_element_type3A_42 : vector<512x1xf32> to vector<512x4096xf32>
    %mul3A_46 = vector.broadcast %convert_element_type3A_44 : vector<1x4096xf32> to vector<512x4096xf32>
    %mul3A_47 = arith.mulf %mul3A_45, %mul3A_46 : vector<512x4096xf32>
    %add3A_48 = arith.addf %add3A, %mul3A_47 : vector<512x4096xf32>
    %mul3A_49 = arith.mulf %get3A_18, %get3A_18 : vector<512x1xf32>
    %mul3A_50 = arith.mulf %get3A_23, %get3A_23 : vector<512x1xf32>
    %add3A_51 = arith.addf %mul3A_49, %mul3A_50 : vector<512x1xf32>
    %mul3A_52 = arith.mulf %get3A_28, %get3A_28 : vector<512x1xf32>
    %add3A_53 = arith.addf %add3A_51, %mul3A_52 : vector<512x1xf32>
    %mul3A_54 = arith.mulf %get3A_3, %get3A_3 : vector<1x4096xf32>
    %mul3A_55 = arith.mulf %get3A_8, %get3A_8 : vector<1x4096xf32>
    %add3A_56 = arith.addf %mul3A_54, %mul3A_55 : vector<1x4096xf32>
    %mul3A_57 = arith.mulf %get3A_13, %get3A_13 : vector<1x4096xf32>
    %add3A_58 = arith.addf %add3A_56, %mul3A_57 : vector<1x4096xf32>
    %mul3A_59 = arith.constant -2.000000e+00 : f32
    %mul3A_60 = vector.broadcast %mul3A_59 : f32 to vector<512x4096xf32>
    %mul3A_61 = arith.mulf %mul3A_60, %add3A_48 : vector<512x4096xf32>
    %add3A_62 = vector.broadcast %add3A_53 : vector<512x1xf32> to vector<512x4096xf32>
    %add3A_63 = arith.addf %mul3A_61, %add3A_62 : vector<512x4096xf32>
    %add3A_64 = vector.broadcast %add3A_58 : vector<1x4096xf32> to vector<512x4096xf32>
    %add3A_65 = arith.addf %add3A_63, %add3A_64 : vector<512x4096xf32>
    %swap3A = arith.constant 0 : index
    %swap3A_66 = arith.constant 0 : index
    %swap3A_67 = vector.load %arg8[%swap3A, %swap3A_66] : memref<512x4096xf32, #tpu.memory_space<vmem>>, vector<512x4096xf32>
    tpu.vector_store %arg8[%swap3A, %swap3A_66], %add3A_65 {strides = array<i32>} : memref<512x4096xf32, #tpu.memory_space<vmem>>, vector<512x4096xf32>,
    %iota3A = tpu.iota {dimensions = array<i32: 1>} : vector<512x4096xi32>
    %iota3A_68 = tpu.iota {dimensions = array<i32: 1>} : vector<512x64xi32>
    %broadcast_in_dim3A = arith.constant 4096 : i32
    %broadcast_in_dim3A_69 = vector.broadcast %broadcast_in_dim3A : i32 to vector<512x4096xi32>
    %broadcast_in_dim3A_70 = arith.constant 0x7F800000 : f32
    %broadcast_in_dim3A_71 = vector.broadcast %broadcast_in_dim3A_70 : f32 to vector<512x4096xf32>
    %broadcast_in_dim3A_72 = arith.constant 0 : i32
    %broadcast_in_dim3A_73 = vector.broadcast %broadcast_in_dim3A_72 : i32 to vector<512x64xi32>
    %scan3A = arith.constant 0 : i32
    %scan3A_74 = arith.constant 8 : i32
    %scan3A_75 = arith.addi %scan3A, %scan3A_74 : i32
    %scan3A_76 = arith.constant 1 : i32
    %scan3A_77 = scf.for %scan3A_85 = %scan3A to %scan3A_75 step %scan3A_76 iter_args(%scan3A_86 = %broadcast_in_dim3A_73) -> (vector<512x64xi32>)  : i32 {
      %get3A_87 = arith.constant 0 : index
      %get3A_88 = arith.constant 0 : index
      %get3A_89 = vector.load %arg8[%get3A_87, %get3A_88] : memref<512x4096xf32, #tpu.memory_space<vmem>>, vector<512x4096xf32>
      %reduce_min3A = arith.constant dense<0x7F800000> : vector<512xf32>
      %reduce_min3A_90 = vector.multi_reduction <minimumf>, %get3A_89, %reduce_min3A [1] : vector<512x4096xf32> to vector<512xf32>
      %broadcast_in_dim3A_91 = vector.shape_cast %reduce_min3A_90 : vector<512xf32> to vector<512x1xf32>
      %eq3A = vector.broadcast %broadcast_in_dim3A_91 : vector<512x1xf32> to vector<512x4096xf32>
      %eq3A_92 = arith.cmpf oeq, %get3A_89, %eq3A : vector<512x4096xf32>
      %select_n3A = arith.select %eq3A_92, %iota3A, %broadcast_in_dim3A_69 : vector<512x4096xi1>, vector<512x4096xi32>
      %reduce_min3A_93 = arith.constant dense<2147483647> : vector<512xi32>
      %reduce_min3A_94 = vector.multi_reduction <minsi>, %select_n3A, %reduce_min3A_93 [1] : vector<512x4096xi32> to vector<512xi32>
      %broadcast_in_dim3A_95 = vector.shape_cast %reduce_min3A_94 : vector<512xi32> to vector<512x1xi32>
      %mul3A_96 = arith.constant 8 : i32
      %mul3A_97 = arith.muli %scan3A_85, %mul3A_96 : i32
      %add3A_98 = arith.constant 0 : i32
      %add3A_99 = arith.addi %mul3A_97, %add3A_98 : i32
      %eq3A_100 = vector.broadcast %add3A_99 : i32 to vector<512x64xi32>
      %eq3A_101 = arith.cmpi eq, %iota3A_68, %eq3A_100 : vector<512x64xi32>
      %broadcast_in_dim3A_102 = vector.shape_cast %broadcast_in_dim3A_95 : vector<512x1xi32> to vector<512x1xi32>
      %broadcast_in_dim3A_103 = vector.broadcast %broadcast_in_dim3A_102 : vector<512x1xi32> to vector<512x64xi32>
      %select_n3A_104 = arith.select %eq3A_101, %broadcast_in_dim3A_103, %scan3A_86 : vector<512x64xi1>, vector<512x64xi32>
      %eq3A_105 = vector.broadcast %broadcast_in_dim3A_95 : vector<512x1xi32> to vector<512x4096xi32>
      %eq3A_106 = arith.cmpi eq, %iota3A, %eq3A_105 : vector<512x4096xi32>
      %select_n3A_107 = arith.select %eq3A_106, %broadcast_in_dim3A_71, %get3A_89 : vector<512x4096xi1>, vector<512x4096xf32>
      %reduce_min3A_108 = arith.constant dense<0x7F800000> : vector<512xf32>
      %reduce_min3A_109 = vector.multi_reduction <minimumf>, %select_n3A_107, %reduce_min3A_108 [1] : vector<512x4096xf32> to vector<512xf32>
      %broadcast_in_dim3A_110 = vector.shape_cast %reduce_min3A_109 : vector<512xf32> to vector<512x1xf32>
      %eq3A_111 = vector.broadcast %broadcast_in_dim3A_110 : vector<512x1xf32> to vector<512x4096xf32>
      %eq3A_112 = arith.cmpf oeq, %select_n3A_107, %eq3A_111 : vector<512x4096xf32>
      %select_n3A_113 = arith.select %eq3A_112, %iota3A, %broadcast_in_dim3A_69 : vector<512x4096xi1>, vector<512x4096xi32>
      %reduce_min3A_114 = arith.constant dense<2147483647> : vector<512xi32>
      %reduce_min3A_115 = vector.multi_reduction <minsi>, %select_n3A_113, %reduce_min3A_114 [1] : vector<512x4096xi32> to vector<512xi32>
      %broadcast_in_dim3A_116 = vector.shape_cast %reduce_min3A_115 : vector<512xi32> to vector<512x1xi32>
      %mul3A_117 = arith.constant 8 : i32
      %mul3A_118 = arith.muli %scan3A_85, %mul3A_117 : i32
      %add3A_119 = arith.constant 1 : i32
      %add3A_120 = arith.addi %mul3A_118, %add3A_119 : i32
      %eq3A_121 = vector.broadcast %add3A_120 : i32 to vector<512x64xi32>
      %eq3A_122 = arith.cmpi eq, %iota3A_68, %eq3A_121 : vector<512x64xi32>
      %broadcast_in_dim3A_123 = vector.shape_cast %broadcast_in_dim3A_116 : vector<512x1xi32> to vector<512x1xi32>
      %broadcast_in_dim3A_124 = vector.broadcast %broadcast_in_dim3A_123 : vector<512x1xi32> to vector<512x64xi32>
      %select_n3A_125 = arith.select %eq3A_122, %broadcast_in_dim3A_124, %select_n3A_104 : vector<512x64xi1>, vector<512x64xi32>
      %eq3A_126 = vector.broadcast %broadcast_in_dim3A_116 : vector<512x1xi32> to vector<512x4096xi32>
      %eq3A_127 = arith.cmpi eq, %iota3A, %eq3A_126 : vector<512x4096xi32>
      %select_n3A_128 = arith.select %eq3A_127, %broadcast_in_dim3A_71, %select_n3A_107 : vector<512x4096xi1>, vector<512x4096xf32>
      %reduce_min3A_129 = arith.constant dense<0x7F800000> : vector<512xf32>
      %reduce_min3A_130 = vector.multi_reduction <minimumf>, %select_n3A_128, %reduce_min3A_129 [1] : vector<512x4096xf32> to vector<512xf32>
      %broadcast_in_dim3A_131 = vector.shape_cast %reduce_min3A_130 : vector<512xf32> to vector<512x1xf32>
      %eq3A_132 = vector.broadcast %broadcast_in_dim3A_131 : vector<512x1xf32> to vector<512x4096xf32>
      %eq3A_133 = arith.cmpf oeq, %select_n3A_128, %eq3A_132 : vector<512x4096xf32>
      %select_n3A_134 = arith.select %eq3A_133, %iota3A, %broadcast_in_dim3A_69 : vector<512x4096xi1>, vector<512x4096xi32>
      %reduce_min3A_135 = arith.constant dense<2147483647> : vector<512xi32>
      %reduce_min3A_136 = vector.multi_reduction <minsi>, %select_n3A_134, %reduce_min3A_135 [1] : vector<512x4096xi32> to vector<512xi32>
      %broadcast_in_dim3A_137 = vector.shape_cast %reduce_min3A_136 : vector<512xi32> to vector<512x1xi32>
      %mul3A_138 = arith.constant 8 : i32
      %mul3A_139 = arith.muli %scan3A_85, %mul3A_138 : i32
      %add3A_140 = arith.constant 2 : i32
      %add3A_141 = arith.addi %mul3A_139, %add3A_140 : i32
      %eq3A_142 = vector.broadcast %add3A_141 : i32 to vector<512x64xi32>
      %eq3A_143 = arith.cmpi eq, %iota3A_68, %eq3A_142 : vector<512x64xi32>
      %broadcast_in_dim3A_144 = vector.shape_cast %broadcast_in_dim3A_137 : vector<512x1xi32> to vector<512x1xi32>
      %broadcast_in_dim3A_145 = vector.broadcast %broadcast_in_dim3A_144 : vector<512x1xi32> to vector<512x64xi32>
      %select_n3A_146 = arith.select %eq3A_143, %broadcast_in_dim3A_145, %select_n3A_125 : vector<512x64xi1>, vector<512x64xi32>
      %eq3A_147 = vector.broadcast %broadcast_in_dim3A_137 : vector<512x1xi32> to vector<512x4096xi32>
      %eq3A_148 = arith.cmpi eq, %iota3A, %eq3A_147 : vector<512x4096xi32>
      %select_n3A_149 = arith.select %eq3A_148, %broadcast_in_dim3A_71, %select_n3A_128 : vector<512x4096xi1>, vector<512x4096xf32>
      %reduce_min3A_150 = arith.constant dense<0x7F800000> : vector<512xf32>
      %reduce_min3A_151 = vector.multi_reduction <minimumf>, %select_n3A_149, %reduce_min3A_150 [1] : vector<512x4096xf32> to vector<512xf32>
      %broadcast_in_dim3A_152 = vector.shape_cast %reduce_min3A_151 : vector<512xf32> to vector<512x1xf32>
      %eq3A_153 = vector.broadcast %broadcast_in_dim3A_152 : vector<512x1xf32> to vector<512x4096xf32>
      %eq3A_154 = arith.cmpf oeq, %select_n3A_149, %eq3A_153 : vector<512x4096xf32>
      %select_n3A_155 = arith.select %eq3A_154, %iota3A, %broadcast_in_dim3A_69 : vector<512x4096xi1>, vector<512x4096xi32>
      %reduce_min3A_156 = arith.constant dense<2147483647> : vector<512xi32>
      %reduce_min3A_157 = vector.multi_reduction <minsi>, %select_n3A_155, %reduce_min3A_156 [1] : vector<512x4096xi32> to vector<512xi32>
      %broadcast_in_dim3A_158 = vector.shape_cast %reduce_min3A_157 : vector<512xi32> to vector<512x1xi32>
      %mul3A_159 = arith.constant 8 : i32
      %mul3A_160 = arith.muli %scan3A_85, %mul3A_159 : i32
      %add3A_161 = arith.constant 3 : i32
      %add3A_162 = arith.addi %mul3A_160, %add3A_161 : i32
      %eq3A_163 = vector.broadcast %add3A_162 : i32 to vector<512x64xi32>
      %eq3A_164 = arith.cmpi eq, %iota3A_68, %eq3A_163 : vector<512x64xi32>
      %broadcast_in_dim3A_165 = vector.shape_cast %broadcast_in_dim3A_158 : vector<512x1xi32> to vector<512x1xi32>
      %broadcast_in_dim3A_166 = vector.broadcast %broadcast_in_dim3A_165 : vector<512x1xi32> to vector<512x64xi32>
      %select_n3A_167 = arith.select %eq3A_164, %broadcast_in_dim3A_166, %select_n3A_146 : vector<512x64xi1>, vector<512x64xi32>
      %eq3A_168 = vector.broadcast %broadcast_in_dim3A_158 : vector<512x1xi32> to vector<512x4096xi32>
      %eq3A_169 = arith.cmpi eq, %iota3A, %eq3A_168 : vector<512x4096xi32>
      %select_n3A_170 = arith.select %eq3A_169, %broadcast_in_dim3A_71, %select_n3A_149 : vector<512x4096xi1>, vector<512x4096xf32>
      %reduce_min3A_171 = arith.constant dense<0x7F800000> : vector<512xf32>
      %reduce_min3A_172 = vector.multi_reduction <minimumf>, %select_n3A_170, %reduce_min3A_171 [1] : vector<512x4096xf32> to vector<512xf32>
      %broadcast_in_dim3A_173 = vector.shape_cast %reduce_min3A_172 : vector<512xf32> to vector<512x1xf32>
      %eq3A_174 = vector.broadcast %broadcast_in_dim3A_173 : vector<512x1xf32> to vector<512x4096xf32>
      %eq3A_175 = arith.cmpf oeq, %select_n3A_170, %eq3A_174 : vector<512x4096xf32>
      %select_n3A_176 = arith.select %eq3A_175, %iota3A, %broadcast_in_dim3A_69 : vector<512x4096xi1>, vector<512x4096xi32>
      %reduce_min3A_177 = arith.constant dense<2147483647> : vector<512xi32>
      %reduce_min3A_178 = vector.multi_reduction <minsi>, %select_n3A_176, %reduce_min3A_177 [1] : vector<512x4096xi32> to vector<512xi32>
      %broadcast_in_dim3A_179 = vector.shape_cast %reduce_min3A_178 : vector<512xi32> to vector<512x1xi32>
      %mul3A_180 = arith.constant 8 : i32
      %mul3A_181 = arith.muli %scan3A_85, %mul3A_180 : i32
      %add3A_182 = arith.constant 4 : i32
      %add3A_183 = arith.addi %mul3A_181, %add3A_182 : i32
      %eq3A_184 = vector.broadcast %add3A_183 : i32 to vector<512x64xi32>
      %eq3A_185 = arith.cmpi eq, %iota3A_68, %eq3A_184 : vector<512x64xi32>
      %broadcast_in_dim3A_186 = vector.shape_cast %broadcast_in_dim3A_179 : vector<512x1xi32> to vector<512x1xi32>
      %broadcast_in_dim3A_187 = vector.broadcast %broadcast_in_dim3A_186 : vector<512x1xi32> to vector<512x64xi32>
      %select_n3A_188 = arith.select %eq3A_185, %broadcast_in_dim3A_187, %select_n3A_167 : vector<512x64xi1>, vector<512x64xi32>
      %eq3A_189 = vector.broadcast %broadcast_in_dim3A_179 : vector<512x1xi32> to vector<512x4096xi32>
      %eq3A_190 = arith.cmpi eq, %iota3A, %eq3A_189 : vector<512x4096xi32>
      %select_n3A_191 = arith.select %eq3A_190, %broadcast_in_dim3A_71, %select_n3A_170 : vector<512x4096xi1>, vector<512x4096xf32>
      %reduce_min3A_192 = arith.constant dense<0x7F800000> : vector<512xf32>
      %reduce_min3A_193 = vector.multi_reduction <minimumf>, %select_n3A_191, %reduce_min3A_192 [1] : vector<512x4096xf32> to vector<512xf32>
      %broadcast_in_dim3A_194 = vector.shape_cast %reduce_min3A_193 : vector<512xf32> to vector<512x1xf32>
      %eq3A_195 = vector.broadcast %broadcast_in_dim3A_194 : vector<512x1xf32> to vector<512x4096xf32>
      %eq3A_196 = arith.cmpf oeq, %select_n3A_191, %eq3A_195 : vector<512x4096xf32>
      %select_n3A_197 = arith.select %eq3A_196, %iota3A, %broadcast_in_dim3A_69 : vector<512x4096xi1>, vector<512x4096xi32>
      %reduce_min3A_198 = arith.constant dense<2147483647> : vector<512xi32>
      %reduce_min3A_199 = vector.multi_reduction <minsi>, %select_n3A_197, %reduce_min3A_198 [1] : vector<512x4096xi32> to vector<512xi32>
      %broadcast_in_dim3A_200 = vector.shape_cast %reduce_min3A_199 : vector<512xi32> to vector<512x1xi32>
      %mul3A_201 = arith.constant 8 : i32
      %mul3A_202 = arith.muli %scan3A_85, %mul3A_201 : i32
      %add3A_203 = arith.constant 5 : i32
      %add3A_204 = arith.addi %mul3A_202, %add3A_203 : i32
      %eq3A_205 = vector.broadcast %add3A_204 : i32 to vector<512x64xi32>
      %eq3A_206 = arith.cmpi eq, %iota3A_68, %eq3A_205 : vector<512x64xi32>
      %broadcast_in_dim3A_207 = vector.shape_cast %broadcast_in_dim3A_200 : vector<512x1xi32> to vector<512x1xi32>
      %broadcast_in_dim3A_208 = vector.broadcast %broadcast_in_dim3A_207 : vector<512x1xi32> to vector<512x64xi32>
      %select_n3A_209 = arith.select %eq3A_206, %broadcast_in_dim3A_208, %select_n3A_188 : vector<512x64xi1>, vector<512x64xi32>
      %eq3A_210 = vector.broadcast %broadcast_in_dim3A_200 : vector<512x1xi32> to vector<512x4096xi32>
      %eq3A_211 = arith.cmpi eq, %iota3A, %eq3A_210 : vector<512x4096xi32>
      %select_n3A_212 = arith.select %eq3A_211, %broadcast_in_dim3A_71, %select_n3A_191 : vector<512x4096xi1>, vector<512x4096xf32>
      %reduce_min3A_213 = arith.constant dense<0x7F800000> : vector<512xf32>
      %reduce_min3A_214 = vector.multi_reduction <minimumf>, %select_n3A_212, %reduce_min3A_213 [1] : vector<512x4096xf32> to vector<512xf32>
      %broadcast_in_dim3A_215 = vector.shape_cast %reduce_min3A_214 : vector<512xf32> to vector<512x1xf32>
      %eq3A_216 = vector.broadcast %broadcast_in_dim3A_215 : vector<512x1xf32> to vector<512x4096xf32>
      %eq3A_217 = arith.cmpf oeq, %select_n3A_212, %eq3A_216 : vector<512x4096xf32>
      %select_n3A_218 = arith.select %eq3A_217, %iota3A, %broadcast_in_dim3A_69 : vector<512x4096xi1>, vector<512x4096xi32>
      %reduce_min3A_219 = arith.constant dense<2147483647> : vector<512xi32>
      %reduce_min3A_220 = vector.multi_reduction <minsi>, %select_n3A_218, %reduce_min3A_219 [1] : vector<512x4096xi32> to vector<512xi32>
      %broadcast_in_dim3A_221 = vector.shape_cast %reduce_min3A_220 : vector<512xi32> to vector<512x1xi32>
      %mul3A_222 = arith.constant 8 : i32
      %mul3A_223 = arith.muli %scan3A_85, %mul3A_222 : i32
      %add3A_224 = arith.constant 6 : i32
      %add3A_225 = arith.addi %mul3A_223, %add3A_224 : i32
      %eq3A_226 = vector.broadcast %add3A_225 : i32 to vector<512x64xi32>
      %eq3A_227 = arith.cmpi eq, %iota3A_68, %eq3A_226 : vector<512x64xi32>
      %broadcast_in_dim3A_228 = vector.shape_cast %broadcast_in_dim3A_221 : vector<512x1xi32> to vector<512x1xi32>
      %broadcast_in_dim3A_229 = vector.broadcast %broadcast_in_dim3A_228 : vector<512x1xi32> to vector<512x64xi32>
      %select_n3A_230 = arith.select %eq3A_227, %broadcast_in_dim3A_229, %select_n3A_209 : vector<512x64xi1>, vector<512x64xi32>
      %eq3A_231 = vector.broadcast %broadcast_in_dim3A_221 : vector<512x1xi32> to vector<512x4096xi32>
      %eq3A_232 = arith.cmpi eq, %iota3A, %eq3A_231 : vector<512x4096xi32>
      %select_n3A_233 = arith.select %eq3A_232, %broadcast_in_dim3A_71, %select_n3A_212 : vector<512x4096xi1>, vector<512x4096xf32>
      %reduce_min3A_234 = arith.constant dense<0x7F800000> : vector<512xf32>
      %reduce_min3A_235 = vector.multi_reduction <minimumf>, %select_n3A_233, %reduce_min3A_234 [1] : vector<512x4096xf32> to vector<512xf32>
      %broadcast_in_dim3A_236 = vector.shape_cast %reduce_min3A_235 : vector<512xf32> to vector<512x1xf32>
      %eq3A_237 = vector.broadcast %broadcast_in_dim3A_236 : vector<512x1xf32> to vector<512x4096xf32>
      %eq3A_238 = arith.cmpf oeq, %select_n3A_233, %eq3A_237 : vector<512x4096xf32>
      %select_n3A_239 = arith.select %eq3A_238, %iota3A, %broadcast_in_dim3A_69 : vector<512x4096xi1>, vector<512x4096xi32>
      %reduce_min3A_240 = arith.constant dense<2147483647> : vector<512xi32>
      %reduce_min3A_241 = vector.multi_reduction <minsi>, %select_n3A_239, %reduce_min3A_240 [1] : vector<512x4096xi32> to vector<512xi32>
      %broadcast_in_dim3A_242 = vector.shape_cast %reduce_min3A_241 : vector<512xi32> to vector<512x1xi32>
      %mul3A_243 = arith.constant 8 : i32
      %mul3A_244 = arith.muli %scan3A_85, %mul3A_243 : i32
      %add3A_245 = arith.constant 7 : i32
      %add3A_246 = arith.addi %mul3A_244, %add3A_245 : i32
      %eq3A_247 = vector.broadcast %add3A_246 : i32 to vector<512x64xi32>
      %eq3A_248 = arith.cmpi eq, %iota3A_68, %eq3A_247 : vector<512x64xi32>
      %broadcast_in_dim3A_249 = vector.shape_cast %broadcast_in_dim3A_242 : vector<512x1xi32> to vector<512x1xi32>
      %broadcast_in_dim3A_250 = vector.broadcast %broadcast_in_dim3A_249 : vector<512x1xi32> to vector<512x64xi32>
      %select_n3A_251 = arith.select %eq3A_248, %broadcast_in_dim3A_250, %select_n3A_230 : vector<512x64xi1>, vector<512x64xi32>
      %eq3A_252 = vector.broadcast %broadcast_in_dim3A_242 : vector<512x1xi32> to vector<512x4096xi32>
      %eq3A_253 = arith.cmpi eq, %iota3A, %eq3A_252 : vector<512x4096xi32>
      %select_n3A_254 = arith.select %eq3A_253, %broadcast_in_dim3A_71, %select_n3A_233 : vector<512x4096xi1>, vector<512x4096xf32>
      %swap3A_255 = arith.constant 0 : index
      %swap3A_256 = arith.constant 0 : index
      %swap3A_257 = vector.load %arg8[%swap3A_255, %swap3A_256] : memref<512x4096xf32, #tpu.memory_space<vmem>>, vector<512x4096xf32>
      tpu.vector_store %arg8[%swap3A_255, %swap3A_256], %select_n3A_254 {strides = array<i32>} : memref<512x4096xf32, #tpu.memory_space<vmem>>, vector<512x4096xf32>,
      scf.yield %select_n3A_251 : vector<512x64xi32>
    }
    %scan3A_78 = arith.constant 8 : i32
    %swap3A_79 = arith.constant 0 : index
    %swap3A_80 = arith.constant 0 : index
    %swap3A_81 = arith.constant 0 : index
    %swap3A_82 = vector.load %arg7[%swap3A_79, %swap3A_80, %swap3A_81] : memref<1x512x64xi32, #tpu.memory_space<vmem>>, vector<1x512x64xi32>
    %swap3A_83 = vector.shape_cast %swap3A_82 : vector<1x512x64xi32> to vector<512x64xi32>
    %swap3A_84 = vector.shape_cast %scan3A_77 : vector<512x64xi32> to vector<1x512x64xi32>
    tpu.vector_store %arg7[%swap3A_79, %swap3A_80, %swap3A_81], %swap3A_84 {strides = array<i32>} : memref<1x512x64xi32, #tpu.memory_space<vmem>>, vector<1x512x64xi32>,
    return
  }
  func.func @transform_0(%arg0: i32) -> (i32, i32, i32) {
    %c0_i32 = arith.constant 0 : i32
    %c0_i32_0 = arith.constant 0 : i32
    %c0_i32_1 = arith.constant 0 : i32
    return %arg0, %c0_i32, %c0_i32_0 : i32, i32, i32
  }
  func.func @transform_1(%arg0: i32) -> (i32, i32, i32) {
    %c0_i32 = arith.constant 0 : i32
    %c0_i32_0 = arith.constant 0 : i32
    %c0_i32_1 = arith.constant 0 : i32
    return %arg0, %c0_i32, %c0_i32_0 : i32, i32, i32
  }
  func.func @transform_2(%arg0: i32) -> (i32, i32, i32) {
    %c0_i32 = arith.constant 0 : i32
    %c0_i32_0 = arith.constant 0 : i32
    %c0_i32_1 = arith.constant 0 : i32
    return %arg0, %c0_i32, %c0_i32_0 : i32, i32, i32
  }
  func.func @transform_3(%arg0: i32) -> (i32, i32, i32) {
    %c0_i32 = arith.constant 0 : i32
    %c0_i32_0 = arith.constant 0 : i32
    %c0_i32_1 = arith.constant 0 : i32
    return %arg0, %c0_i32, %c0_i32_0 : i32, i32, i32
  }
  func.func @transform_4(%arg0: i32) -> (i32, i32, i32) {
    %c0_i32 = arith.constant 0 : i32
    %c0_i32_0 = arith.constant 0 : i32
    %c0_i32_1 = arith.constant 0 : i32
    return %arg0, %c0_i32, %c0_i32_0 : i32, i32, i32
  }
  func.func @transform_5(%arg0: i32) -> (i32, i32, i32) {
    %c0_i32 = arith.constant 0 : i32
    %c0_i32_0 = arith.constant 0 : i32
    %c0_i32_1 = arith.constant 0 : i32
    return %arg0, %c0_i32, %c0_i32_0 : i32, i32, i32
  }
  func.func @transform_6(%arg0: i32) -> (i32, i32, i32) {
    %c0_i32 = arith.constant 0 : i32
    %c0_i32_0 = arith.constant 0 : i32
    %c0_i32_1 = arith.constant 0 : i32
    return %arg0, %c0_i32, %c0_i32_0 : i32, i32, i32
  }
}

module attributes {stable_mosaic.version = 14 : i64} {
  func.func @_pass_a_body(%arg0: i32, %arg1: memref<128x16x48xf32, #tpu.memory_space<vmem>>, %arg2: memref<128x48xf32, #tpu.memory_space<vmem>>, %arg3: memref<48x32xf32, #tpu.memory_space<vmem>>, %arg4: memref<2048x32xbf16, #tpu.memory_space<vmem>>, %arg5: memref<8x32xf32, #tpu.memory_space<vmem>>, %arg6: memref<8x32xf32, #tpu.memory_space<vmem>>) attributes {dimension_semantics = [#tpu.dimension_semantics<arbitrary>], iteration_bounds = array<i64: 32>, scalar_prefetch = 0 : i64, scratch_operands = 0 : i64, tpu.core_type = #tpu.core_type<tc>, window_params = [{transform_indices = @transform_0, window_bounds = array<i64: 128, 16, 48>}, {transform_indices = @transform_1, window_bounds = array<i64: 128, 48>}, {pipeline_mode = #tpu.pipeline_mode<synchronous>, transform_indices = @transform_2, window_bounds = array<i64: 48, 32>}, {transform_indices = @transform_3, window_bounds = array<i64: 2048, 32>}, {pipeline_mode = #tpu.pipeline_mode<synchronous>, transform_indices = @transform_4, window_bounds = array<i64: 8, 32>}, {pipeline_mode = #tpu.pipeline_mode<synchronous>, transform_indices = @transform_5, window_bounds = array<i64: 8, 32>}]} {
    %get3A = arith.constant 0 : index
    %get3A_0 = arith.constant 0 : index
    %get3A_1 = arith.constant 0 : index
    %get3A_2 = vector.load %arg1[%get3A, %get3A_0, %get3A_1] : memref<128x16x48xf32, #tpu.memory_space<vmem>>, vector<128x16x48xf32>
    %get3A_3 = arith.constant 0 : index
    %get3A_4 = arith.constant 0 : index
    %get3A_5 = vector.load %arg2[%get3A_3, %get3A_4] : memref<128x48xf32, #tpu.memory_space<vmem>>, vector<128x48xf32>
    %broadcast_in_dim3A = vector.shape_cast %get3A_5 : vector<128x48xf32> to vector<128x1x48xf32>
    %sub3A = vector.broadcast %broadcast_in_dim3A : vector<128x1x48xf32> to vector<128x16x48xf32>
    %sub3A_6 = arith.subf %get3A_2, %sub3A : vector<128x16x48xf32>
    %reshape3A = vector.shape_cast %sub3A_6 : vector<128x16x48xf32> to vector<2048x48xf32>
    %get3A_7 = arith.constant 0 : index
    %get3A_8 = arith.constant 0 : index
    %get3A_9 = vector.load %arg3[%get3A_7, %get3A_8] : memref<48x32xf32, #tpu.memory_space<vmem>>, vector<48x32xf32>
    %dot_general3A = arith.constant dense<0.000000e+00> : vector<2048x32xf32>
    %dot_general3A_10 = tpu.matmul %reshape3A, %get3A_9, %dot_general3A {dimension_numbers = #tpu.dot_dimension_numbers<[1], [0], [0], [1], [0, 0, 1, 1], [], []>, transpose_lhs_hint = false} : vector<2048x48xf32>, vector<48x32xf32>, vector<2048x32xf32> -> vector<2048x32xf32>
    %convert_element_type3A = arith.truncf %dot_general3A_10 : vector<2048x32xf32> to vector<2048x32xbf16>
    %swap3A = arith.constant 0 : index
    %swap3A_11 = arith.constant 0 : index
    %swap3A_12 = vector.load %arg4[%swap3A, %swap3A_11] : memref<2048x32xbf16, #tpu.memory_space<vmem>>, vector<2048x32xbf16>
    tpu.vector_store %arg4[%swap3A, %swap3A_11], %convert_element_type3A {strides = array<i32>} : memref<2048x32xbf16, #tpu.memory_space<vmem>>, vector<2048x32xbf16>,
    %eq3A = arith.constant 0 : i32
    %eq3A_13 = arith.cmpi eq, %arg0, %eq3A : i32
    %convert_element_type3A_14 = arith.extui %eq3A_13 : i1 to i32
    %cond3A = arith.constant 0 : i32
    %cond3A_15 = arith.cmpi ne, %convert_element_type3A_14, %cond3A : i32
    scf.if %cond3A_15 {
      %broadcast_in_dim3A_34 = arith.constant 0.000000e+00 : f32
      %broadcast_in_dim3A_35 = vector.broadcast %broadcast_in_dim3A_34 : f32 to vector<8x32xf32>
      %swap3A_36 = arith.constant 0 : index
      %swap3A_37 = arith.constant 0 : index
      %swap3A_38 = vector.load %arg5[%swap3A_36, %swap3A_37] : memref<8x32xf32, #tpu.memory_space<vmem>>, vector<8x32xf32>
      tpu.vector_store %arg5[%swap3A_36, %swap3A_37], %broadcast_in_dim3A_35 {strides = array<i32>} : memref<8x32xf32, #tpu.memory_space<vmem>>, vector<8x32xf32>,
      %broadcast_in_dim3A_39 = arith.constant 0.000000e+00 : f32
      %broadcast_in_dim3A_40 = vector.broadcast %broadcast_in_dim3A_39 : f32 to vector<8x32xf32>
      %swap3A_41 = arith.constant 0 : index
      %swap3A_42 = arith.constant 0 : index
      %swap3A_43 = vector.load %arg6[%swap3A_41, %swap3A_42] : memref<8x32xf32, #tpu.memory_space<vmem>>, vector<8x32xf32>
      tpu.vector_store %arg6[%swap3A_41, %swap3A_42], %broadcast_in_dim3A_40 {strides = array<i32>} : memref<8x32xf32, #tpu.memory_space<vmem>>, vector<8x32xf32>,
    } else {
    }
    %get3A_16 = arith.constant 0 : index
    %get3A_17 = arith.constant 0 : index
    %get3A_18 = vector.load %arg5[%get3A_16, %get3A_17] : memref<8x32xf32, #tpu.memory_space<vmem>>, vector<1x32xf32>
    %reduce_sum3A = arith.constant dense<0.000000e+00> : vector<32xf32>
    %reduce_sum3A_19 = vector.multi_reduction <add>, %dot_general3A_10, %reduce_sum3A [0] : vector<2048x32xf32> to vector<32xf32>
    %broadcast_in_dim3A_20 = vector.shape_cast %reduce_sum3A_19 : vector<32xf32> to vector<1x32xf32>
    %add3A = arith.addf %get3A_18, %broadcast_in_dim3A_20 : vector<1x32xf32>
    %swap3A_21 = arith.constant 0 : index
    %swap3A_22 = arith.constant 0 : index
    %swap3A_23 = vector.load %arg5[%swap3A_21, %swap3A_22] : memref<8x32xf32, #tpu.memory_space<vmem>>, vector<1x32xf32>
    tpu.vector_store %arg5[%swap3A_21, %swap3A_22], %add3A {strides = array<i32>} : memref<8x32xf32, #tpu.memory_space<vmem>>, vector<1x32xf32>,
    %get3A_24 = arith.constant 0 : index
    %get3A_25 = arith.constant 0 : index
    %get3A_26 = vector.load %arg6[%get3A_24, %get3A_25] : memref<8x32xf32, #tpu.memory_space<vmem>>, vector<1x32xf32>
    %mul3A = arith.mulf %dot_general3A_10, %dot_general3A_10 : vector<2048x32xf32>
    %reduce_sum3A_27 = arith.constant dense<0.000000e+00> : vector<32xf32>
    %reduce_sum3A_28 = vector.multi_reduction <add>, %mul3A, %reduce_sum3A_27 [0] : vector<2048x32xf32> to vector<32xf32>
    %broadcast_in_dim3A_29 = vector.shape_cast %reduce_sum3A_28 : vector<32xf32> to vector<1x32xf32>
    %add3A_30 = arith.addf %get3A_26, %broadcast_in_dim3A_29 : vector<1x32xf32>
    %swap3A_31 = arith.constant 0 : index
    %swap3A_32 = arith.constant 0 : index
    %swap3A_33 = vector.load %arg6[%swap3A_31, %swap3A_32] : memref<8x32xf32, #tpu.memory_space<vmem>>, vector<1x32xf32>
    tpu.vector_store %arg6[%swap3A_31, %swap3A_32], %add3A_30 {strides = array<i32>} : memref<8x32xf32, #tpu.memory_space<vmem>>, vector<1x32xf32>,
    return
  }
  func.func @transform_0(%arg0: i32) -> (i32, i32, i32) {
    %c0_i32 = arith.constant 0 : i32
    %c0_i32_0 = arith.constant 0 : i32
    %c0_i32_1 = arith.constant 0 : i32
    return %arg0, %c0_i32, %c0_i32_0 : i32, i32, i32
  }
  func.func @transform_1(%arg0: i32) -> (i32, i32) {
    %c0_i32 = arith.constant 0 : i32
    %c0_i32_0 = arith.constant 0 : i32
    return %arg0, %c0_i32 : i32, i32
  }
  func.func @transform_2(%arg0: i32) -> (i32, i32) {
    %c0_i32 = arith.constant 0 : i32
    %c0_i32_0 = arith.constant 0 : i32
    %c0_i32_1 = arith.constant 0 : i32
    return %c0_i32, %c0_i32_0 : i32, i32
  }
  func.func @transform_3(%arg0: i32) -> (i32, i32) {
    %c0_i32 = arith.constant 0 : i32
    %c0_i32_0 = arith.constant 0 : i32
    return %arg0, %c0_i32 : i32, i32
  }
  func.func @transform_4(%arg0: i32) -> (i32, i32) {
    %c0_i32 = arith.constant 0 : i32
    %c0_i32_0 = arith.constant 0 : i32
    %c0_i32_1 = arith.constant 0 : i32
    return %c0_i32, %c0_i32_0 : i32, i32
  }
  func.func @transform_5(%arg0: i32) -> (i32, i32) {
    %c0_i32 = arith.constant 0 : i32
    %c0_i32_0 = arith.constant 0 : i32
    %c0_i32_1 = arith.constant 0 : i32
    return %c0_i32, %c0_i32_0 : i32, i32
  }
}

module attributes {stable_mosaic.version = 14 : i64} {
  func.func @_pass_bc_body(%arg0: i32, %arg1: memref<2048x32xbf16, #tpu.memory_space<vmem>>, %arg2: memref<8x32xf32, #tpu.memory_space<vmem>>, %arg3: memref<32x32xf32, #tpu.memory_space<vmem>>, %arg4: memref<8x32xf32, #tpu.memory_space<vmem>>, %arg5: memref<2048x32xbf16, #tpu.memory_space<vmem>>, %arg6: memref<8x32xf32, #tpu.memory_space<vmem>>, %arg7: memref<8x32xf32, #tpu.memory_space<vmem>>) attributes {dimension_semantics = [#tpu.dimension_semantics<arbitrary>], iteration_bounds = array<i64: 32>, scalar_prefetch = 0 : i64, scratch_operands = 0 : i64, tpu.core_type = #tpu.core_type<tc>, window_params = [{transform_indices = @transform_0, window_bounds = array<i64: 2048, 32>}, {pipeline_mode = #tpu.pipeline_mode<synchronous>, transform_indices = @transform_1, window_bounds = array<i64: 8, 32>}, {pipeline_mode = #tpu.pipeline_mode<synchronous>, transform_indices = @transform_2, window_bounds = array<i64: 32, 32>}, {pipeline_mode = #tpu.pipeline_mode<synchronous>, transform_indices = @transform_3, window_bounds = array<i64: 8, 32>}, {transform_indices = @transform_4, window_bounds = array<i64: 2048, 32>}, {pipeline_mode = #tpu.pipeline_mode<synchronous>, transform_indices = @transform_5, window_bounds = array<i64: 8, 32>}, {pipeline_mode = #tpu.pipeline_mode<synchronous>, transform_indices = @transform_6, window_bounds = array<i64: 8, 32>}]} {
    %get3A = arith.constant 0 : index
    %get3A_0 = arith.constant 0 : index
    %get3A_1 = vector.load %arg2[%get3A, %get3A_0] : memref<8x32xf32, #tpu.memory_space<vmem>>, vector<8x32xf32>
    %slice3A = vector.extract_strided_slice %get3A_1 {offsets = [0, 0], sizes = [1, 32], strides = [1, 1]} : vector<8x32xf32> to vector<1x32xf32>
    %slice3A_2 = vector.extract_strided_slice %get3A_1 {offsets = [1, 0], sizes = [1, 32], strides = [1, 1]} : vector<8x32xf32> to vector<1x32xf32>
    %get3A_3 = arith.constant 0 : index
    %get3A_4 = arith.constant 0 : index
    %get3A_5 = vector.load %arg1[%get3A_3, %get3A_4] : memref<2048x32xbf16, #tpu.memory_space<vmem>>, vector<2048x32xbf16>
    %convert_element_type3A = arith.extf %get3A_5 : vector<2048x32xbf16> to vector<2048x32xf32>
    %mul3A = vector.broadcast %slice3A : vector<1x32xf32> to vector<2048x32xf32>
    %mul3A_6 = arith.mulf %convert_element_type3A, %mul3A : vector<2048x32xf32>
    %add3A = vector.broadcast %slice3A_2 : vector<1x32xf32> to vector<2048x32xf32>
    %add3A_7 = arith.addf %mul3A_6, %add3A : vector<2048x32xf32>
    %max3A = arith.constant 0.000000e+00 : f32
    %max3A_8 = vector.broadcast %max3A : f32 to vector<2048x32xf32>
    %max3A_9 = arith.maximumf %add3A_7, %max3A_8 : vector<2048x32xf32>
    %get3A_10 = arith.constant 0 : index
    %get3A_11 = arith.constant 0 : index
    %get3A_12 = vector.load %arg3[%get3A_10, %get3A_11] : memref<32x32xf32, #tpu.memory_space<vmem>>, vector<32x32xf32>
    %dot_general3A = arith.constant dense<0.000000e+00> : vector<2048x32xf32>
    %dot_general3A_13 = tpu.matmul %max3A_9, %get3A_12, %dot_general3A {dimension_numbers = #tpu.dot_dimension_numbers<[1], [0], [0], [1], [0, 0, 1, 1], [], []>, transpose_lhs_hint = false} : vector<2048x32xf32>, vector<32x32xf32>, vector<2048x32xf32> -> vector<2048x32xf32>
    %get3A_14 = arith.constant 0 : index
    %get3A_15 = arith.constant 0 : index
    %get3A_16 = vector.load %arg4[%get3A_14, %get3A_15] : memref<8x32xf32, #tpu.memory_space<vmem>>, vector<1x32xf32>
    %add3A_17 = vector.broadcast %get3A_16 : vector<1x32xf32> to vector<2048x32xf32>
    %add3A_18 = arith.addf %dot_general3A_13, %add3A_17 : vector<2048x32xf32>
    %convert_element_type3A_19 = arith.truncf %add3A_18 : vector<2048x32xf32> to vector<2048x32xbf16>
    %swap3A = arith.constant 0 : index
    %swap3A_20 = arith.constant 0 : index
    %swap3A_21 = vector.load %arg5[%swap3A, %swap3A_20] : memref<2048x32xbf16, #tpu.memory_space<vmem>>, vector<2048x32xbf16>
    tpu.vector_store %arg5[%swap3A, %swap3A_20], %convert_element_type3A_19 {strides = array<i32>} : memref<2048x32xbf16, #tpu.memory_space<vmem>>, vector<2048x32xbf16>,
    %eq3A = arith.constant 0 : i32
    %eq3A_22 = arith.cmpi eq, %arg0, %eq3A : i32
    %convert_element_type3A_23 = arith.extui %eq3A_22 : i1 to i32
    %cond3A = arith.constant 0 : i32
    %cond3A_24 = arith.cmpi ne, %convert_element_type3A_23, %cond3A : i32
    scf.if %cond3A_24 {
      %broadcast_in_dim3A_44 = arith.constant 0.000000e+00 : f32
      %broadcast_in_dim3A_45 = vector.broadcast %broadcast_in_dim3A_44 : f32 to vector<8x32xf32>
      %swap3A_46 = arith.constant 0 : index
      %swap3A_47 = arith.constant 0 : index
      %swap3A_48 = vector.load %arg6[%swap3A_46, %swap3A_47] : memref<8x32xf32, #tpu.memory_space<vmem>>, vector<8x32xf32>
      tpu.vector_store %arg6[%swap3A_46, %swap3A_47], %broadcast_in_dim3A_45 {strides = array<i32>} : memref<8x32xf32, #tpu.memory_space<vmem>>, vector<8x32xf32>,
      %broadcast_in_dim3A_49 = arith.constant 0.000000e+00 : f32
      %broadcast_in_dim3A_50 = vector.broadcast %broadcast_in_dim3A_49 : f32 to vector<8x32xf32>
      %swap3A_51 = arith.constant 0 : index
      %swap3A_52 = arith.constant 0 : index
      %swap3A_53 = vector.load %arg7[%swap3A_51, %swap3A_52] : memref<8x32xf32, #tpu.memory_space<vmem>>, vector<8x32xf32>
      tpu.vector_store %arg7[%swap3A_51, %swap3A_52], %broadcast_in_dim3A_50 {strides = array<i32>} : memref<8x32xf32, #tpu.memory_space<vmem>>, vector<8x32xf32>,
    } else {
    }
    %get3A_25 = arith.constant 0 : index
    %get3A_26 = arith.constant 0 : index
    %get3A_27 = vector.load %arg6[%get3A_25, %get3A_26] : memref<8x32xf32, #tpu.memory_space<vmem>>, vector<1x32xf32>
    %reduce_sum3A = arith.constant dense<0.000000e+00> : vector<32xf32>
    %reduce_sum3A_28 = vector.multi_reduction <add>, %add3A_18, %reduce_sum3A [0] : vector<2048x32xf32> to vector<32xf32>
    %broadcast_in_dim3A = vector.shape_cast %reduce_sum3A_28 : vector<32xf32> to vector<1x32xf32>
    %add3A_29 = arith.addf %get3A_27, %broadcast_in_dim3A : vector<1x32xf32>
    %swap3A_30 = arith.constant 0 : index
    %swap3A_31 = arith.constant 0 : index
    %swap3A_32 = vector.load %arg6[%swap3A_30, %swap3A_31] : memref<8x32xf32, #tpu.memory_space<vmem>>, vector<1x32xf32>
    tpu.vector_store %arg6[%swap3A_30, %swap3A_31], %add3A_29 {strides = array<i32>} : memref<8x32xf32, #tpu.memory_space<vmem>>, vector<1x32xf32>,
    %get3A_33 = arith.constant 0 : index
    %get3A_34 = arith.constant 0 : index
    %get3A_35 = vector.load %arg7[%get3A_33, %get3A_34] : memref<8x32xf32, #tpu.memory_space<vmem>>, vector<1x32xf32>
    %mul3A_36 = arith.mulf %add3A_18, %add3A_18 : vector<2048x32xf32>
    %reduce_sum3A_37 = arith.constant dense<0.000000e+00> : vector<32xf32>
    %reduce_sum3A_38 = vector.multi_reduction <add>, %mul3A_36, %reduce_sum3A_37 [0] : vector<2048x32xf32> to vector<32xf32>
    %broadcast_in_dim3A_39 = vector.shape_cast %reduce_sum3A_38 : vector<32xf32> to vector<1x32xf32>
    %add3A_40 = arith.addf %get3A_35, %broadcast_in_dim3A_39 : vector<1x32xf32>
    %swap3A_41 = arith.constant 0 : index
    %swap3A_42 = arith.constant 0 : index
    %swap3A_43 = vector.load %arg7[%swap3A_41, %swap3A_42] : memref<8x32xf32, #tpu.memory_space<vmem>>, vector<1x32xf32>
    tpu.vector_store %arg7[%swap3A_41, %swap3A_42], %add3A_40 {strides = array<i32>} : memref<8x32xf32, #tpu.memory_space<vmem>>, vector<1x32xf32>,
    return
  }
  func.func @transform_0(%arg0: i32) -> (i32, i32) {
    %c0_i32 = arith.constant 0 : i32
    %c0_i32_0 = arith.constant 0 : i32
    return %arg0, %c0_i32 : i32, i32
  }
  func.func @transform_1(%arg0: i32) -> (i32, i32) {
    %c0_i32 = arith.constant 0 : i32
    %c0_i32_0 = arith.constant 0 : i32
    %c0_i32_1 = arith.constant 0 : i32
    return %c0_i32, %c0_i32_0 : i32, i32
  }
  func.func @transform_2(%arg0: i32) -> (i32, i32) {
    %c0_i32 = arith.constant 0 : i32
    %c0_i32_0 = arith.constant 0 : i32
    %c0_i32_1 = arith.constant 0 : i32
    return %c0_i32, %c0_i32_0 : i32, i32
  }
  func.func @transform_3(%arg0: i32) -> (i32, i32) {
    %c0_i32 = arith.constant 0 : i32
    %c0_i32_0 = arith.constant 0 : i32
    %c0_i32_1 = arith.constant 0 : i32
    return %c0_i32, %c0_i32_0 : i32, i32
  }
  func.func @transform_4(%arg0: i32) -> (i32, i32) {
    %c0_i32 = arith.constant 0 : i32
    %c0_i32_0 = arith.constant 0 : i32
    return %arg0, %c0_i32 : i32, i32
  }
  func.func @transform_5(%arg0: i32) -> (i32, i32) {
    %c0_i32 = arith.constant 0 : i32
    %c0_i32_0 = arith.constant 0 : i32
    %c0_i32_1 = arith.constant 0 : i32
    return %c0_i32, %c0_i32_0 : i32, i32
  }
  func.func @transform_6(%arg0: i32) -> (i32, i32) {
    %c0_i32 = arith.constant 0 : i32
    %c0_i32_0 = arith.constant 0 : i32
    %c0_i32_1 = arith.constant 0 : i32
    return %c0_i32, %c0_i32_0 : i32, i32
  }
}

module attributes {stable_mosaic.version = 14 : i64} {
  func.func @_pass_c_body(%arg0: i32, %arg1: memref<128x16x32xbf16, #tpu.memory_space<vmem>>, %arg2: memref<8x32xf32, #tpu.memory_space<vmem>>, %arg3: memref<32x64xf32, #tpu.memory_space<vmem>>, %arg4: memref<8x64xf32, #tpu.memory_space<vmem>>, %arg5: memref<128x64xf32, #tpu.memory_space<vmem>>, %arg6: memref<8x64xf32, #tpu.memory_space<vmem>>, %arg7: memref<8x64xf32, #tpu.memory_space<vmem>>) attributes {dimension_semantics = [#tpu.dimension_semantics<arbitrary>], iteration_bounds = array<i64: 32>, scalar_prefetch = 0 : i64, scratch_operands = 0 : i64, tpu.core_type = #tpu.core_type<tc>, window_params = [{transform_indices = @transform_0, window_bounds = array<i64: 128, 16, 32>}, {pipeline_mode = #tpu.pipeline_mode<synchronous>, transform_indices = @transform_1, window_bounds = array<i64: 8, 32>}, {pipeline_mode = #tpu.pipeline_mode<synchronous>, transform_indices = @transform_2, window_bounds = array<i64: 32, 64>}, {pipeline_mode = #tpu.pipeline_mode<synchronous>, transform_indices = @transform_3, window_bounds = array<i64: 8, 64>}, {transform_indices = @transform_4, window_bounds = array<i64: 128, 64>}, {pipeline_mode = #tpu.pipeline_mode<synchronous>, transform_indices = @transform_5, window_bounds = array<i64: 8, 64>}, {pipeline_mode = #tpu.pipeline_mode<synchronous>, transform_indices = @transform_6, window_bounds = array<i64: 8, 64>}]} {
    %get3A = arith.constant 0 : index
    %get3A_0 = arith.constant 0 : index
    %get3A_1 = vector.load %arg2[%get3A, %get3A_0] : memref<8x32xf32, #tpu.memory_space<vmem>>, vector<8x32xf32>
    %slice3A = vector.extract_strided_slice %get3A_1 {offsets = [0, 0], sizes = [1, 32], strides = [1, 1]} : vector<8x32xf32> to vector<1x32xf32>
    %reshape3A = vector.shape_cast %slice3A : vector<1x32xf32> to vector<1x1x32xf32>
    %slice3A_2 = vector.extract_strided_slice %get3A_1 {offsets = [1, 0], sizes = [1, 32], strides = [1, 1]} : vector<8x32xf32> to vector<1x32xf32>
    %reshape3A_3 = vector.shape_cast %slice3A_2 : vector<1x32xf32> to vector<1x1x32xf32>
    %get3A_4 = arith.constant 0 : index
    %get3A_5 = arith.constant 0 : index
    %get3A_6 = arith.constant 0 : index
    %get3A_7 = vector.load %arg1[%get3A_4, %get3A_5, %get3A_6] : memref<128x16x32xbf16, #tpu.memory_space<vmem>>, vector<128x16x32xbf16>
    %convert_element_type3A = arith.extf %get3A_7 : vector<128x16x32xbf16> to vector<128x16x32xf32>
    %mul3A = vector.broadcast %reshape3A : vector<1x1x32xf32> to vector<128x16x32xf32>
    %mul3A_8 = arith.mulf %convert_element_type3A, %mul3A : vector<128x16x32xf32>
    %add3A = vector.broadcast %reshape3A_3 : vector<1x1x32xf32> to vector<128x16x32xf32>
    %add3A_9 = arith.addf %mul3A_8, %add3A : vector<128x16x32xf32>
    %max3A = arith.constant 0.000000e+00 : f32
    %max3A_10 = vector.broadcast %max3A : f32 to vector<128x16x32xf32>
    %max3A_11 = arith.maximumf %add3A_9, %max3A_10 : vector<128x16x32xf32>
    %reshape3A_12 = vector.shape_cast %max3A_11 : vector<128x16x32xf32> to vector<2048x32xf32>
    %get3A_13 = arith.constant 0 : index
    %get3A_14 = arith.constant 0 : index
    %get3A_15 = vector.load %arg3[%get3A_13, %get3A_14] : memref<32x64xf32, #tpu.memory_space<vmem>>, vector<32x64xf32>
    %dot_general3A = arith.constant dense<0.000000e+00> : vector<2048x64xf32>
    %dot_general3A_16 = tpu.matmul %reshape3A_12, %get3A_15, %dot_general3A {dimension_numbers = #tpu.dot_dimension_numbers<[1], [0], [0], [1], [0, 0, 1, 1], [], []>, transpose_lhs_hint = false} : vector<2048x32xf32>, vector<32x64xf32>, vector<2048x64xf32> -> vector<2048x64xf32>
    %get3A_17 = arith.constant 0 : index
    %get3A_18 = arith.constant 0 : index
    %get3A_19 = vector.load %arg4[%get3A_17, %get3A_18] : memref<8x64xf32, #tpu.memory_space<vmem>>, vector<1x64xf32>
    %add3A_20 = vector.broadcast %get3A_19 : vector<1x64xf32> to vector<2048x64xf32>
    %add3A_21 = arith.addf %dot_general3A_16, %add3A_20 : vector<2048x64xf32>
    %eq3A = arith.constant 0 : i32
    %eq3A_22 = arith.cmpi eq, %arg0, %eq3A : i32
    %convert_element_type3A_23 = arith.extui %eq3A_22 : i1 to i32
    %cond3A = arith.constant 0 : i32
    %cond3A_24 = arith.cmpi ne, %convert_element_type3A_23, %cond3A : i32
    scf.if %cond3A_24 {
      %broadcast_in_dim3A_48 = arith.constant 0.000000e+00 : f32
      %broadcast_in_dim3A_49 = vector.broadcast %broadcast_in_dim3A_48 : f32 to vector<8x64xf32>
      %swap3A_50 = arith.constant 0 : index
      %swap3A_51 = arith.constant 0 : index
      %swap3A_52 = vector.load %arg6[%swap3A_50, %swap3A_51] : memref<8x64xf32, #tpu.memory_space<vmem>>, vector<8x64xf32>
      tpu.vector_store %arg6[%swap3A_50, %swap3A_51], %broadcast_in_dim3A_49 {strides = array<i32>} : memref<8x64xf32, #tpu.memory_space<vmem>>, vector<8x64xf32>,
      %broadcast_in_dim3A_53 = arith.constant 0.000000e+00 : f32
      %broadcast_in_dim3A_54 = vector.broadcast %broadcast_in_dim3A_53 : f32 to vector<8x64xf32>
      %swap3A_55 = arith.constant 0 : index
      %swap3A_56 = arith.constant 0 : index
      %swap3A_57 = vector.load %arg7[%swap3A_55, %swap3A_56] : memref<8x64xf32, #tpu.memory_space<vmem>>, vector<8x64xf32>
      tpu.vector_store %arg7[%swap3A_55, %swap3A_56], %broadcast_in_dim3A_54 {strides = array<i32>} : memref<8x64xf32, #tpu.memory_space<vmem>>, vector<8x64xf32>,
    } else {
    }
    %get3A_25 = arith.constant 0 : index
    %get3A_26 = arith.constant 0 : index
    %get3A_27 = vector.load %arg6[%get3A_25, %get3A_26] : memref<8x64xf32, #tpu.memory_space<vmem>>, vector<1x64xf32>
    %reduce_sum3A = arith.constant dense<0.000000e+00> : vector<64xf32>
    %reduce_sum3A_28 = vector.multi_reduction <add>, %add3A_21, %reduce_sum3A [0] : vector<2048x64xf32> to vector<64xf32>
    %broadcast_in_dim3A = vector.shape_cast %reduce_sum3A_28 : vector<64xf32> to vector<1x64xf32>
    %add3A_29 = arith.addf %get3A_27, %broadcast_in_dim3A : vector<1x64xf32>
    %swap3A = arith.constant 0 : index
    %swap3A_30 = arith.constant 0 : index
    %swap3A_31 = vector.load %arg6[%swap3A, %swap3A_30] : memref<8x64xf32, #tpu.memory_space<vmem>>, vector<1x64xf32>
    tpu.vector_store %arg6[%swap3A, %swap3A_30], %add3A_29 {strides = array<i32>} : memref<8x64xf32, #tpu.memory_space<vmem>>, vector<1x64xf32>,
    %get3A_32 = arith.constant 0 : index
    %get3A_33 = arith.constant 0 : index
    %get3A_34 = vector.load %arg7[%get3A_32, %get3A_33] : memref<8x64xf32, #tpu.memory_space<vmem>>, vector<1x64xf32>
    %mul3A_35 = arith.mulf %add3A_21, %add3A_21 : vector<2048x64xf32>
    %reduce_sum3A_36 = arith.constant dense<0.000000e+00> : vector<64xf32>
    %reduce_sum3A_37 = vector.multi_reduction <add>, %mul3A_35, %reduce_sum3A_36 [0] : vector<2048x64xf32> to vector<64xf32>
    %broadcast_in_dim3A_38 = vector.shape_cast %reduce_sum3A_37 : vector<64xf32> to vector<1x64xf32>
    %add3A_39 = arith.addf %get3A_34, %broadcast_in_dim3A_38 : vector<1x64xf32>
    %swap3A_40 = arith.constant 0 : index
    %swap3A_41 = arith.constant 0 : index
    %swap3A_42 = vector.load %arg7[%swap3A_40, %swap3A_41] : memref<8x64xf32, #tpu.memory_space<vmem>>, vector<1x64xf32>
    tpu.vector_store %arg7[%swap3A_40, %swap3A_41], %add3A_39 {strides = array<i32>} : memref<8x64xf32, #tpu.memory_space<vmem>>, vector<1x64xf32>,
    %reshape3A_43 = vector.shape_cast %add3A_21 : vector<2048x64xf32> to vector<128x16x64xf32>
    %reduce_max3A = arith.constant dense<0xFF800000> : vector<128x64xf32>
    %reduce_max3A_44 = vector.multi_reduction <maximumf>, %reshape3A_43, %reduce_max3A [1] : vector<128x16x64xf32> to vector<128x64xf32>
    %swap3A_45 = arith.constant 0 : index
    %swap3A_46 = arith.constant 0 : index
    %swap3A_47 = vector.load %arg5[%swap3A_45, %swap3A_46] : memref<128x64xf32, #tpu.memory_space<vmem>>, vector<128x64xf32>
    tpu.vector_store %arg5[%swap3A_45, %swap3A_46], %reduce_max3A_44 {strides = array<i32>} : memref<128x64xf32, #tpu.memory_space<vmem>>, vector<128x64xf32>,
    return
  }
  func.func @transform_0(%arg0: i32) -> (i32, i32, i32) {
    %c0_i32 = arith.constant 0 : i32
    %c0_i32_0 = arith.constant 0 : i32
    %c0_i32_1 = arith.constant 0 : i32
    return %arg0, %c0_i32, %c0_i32_0 : i32, i32, i32
  }
  func.func @transform_1(%arg0: i32) -> (i32, i32) {
    %c0_i32 = arith.constant 0 : i32
    %c0_i32_0 = arith.constant 0 : i32
    %c0_i32_1 = arith.constant 0 : i32
    return %c0_i32, %c0_i32_0 : i32, i32
  }
  func.func @transform_2(%arg0: i32) -> (i32, i32) {
    %c0_i32 = arith.constant 0 : i32
    %c0_i32_0 = arith.constant 0 : i32
    %c0_i32_1 = arith.constant 0 : i32
    return %c0_i32, %c0_i32_0 : i32, i32
  }
  func.func @transform_3(%arg0: i32) -> (i32, i32) {
    %c0_i32 = arith.constant 0 : i32
    %c0_i32_0 = arith.constant 0 : i32
    %c0_i32_1 = arith.constant 0 : i32
    return %c0_i32, %c0_i32_0 : i32, i32
  }
  func.func @transform_4(%arg0: i32) -> (i32, i32) {
    %c0_i32 = arith.constant 0 : i32
    %c0_i32_0 = arith.constant 0 : i32
    return %arg0, %c0_i32 : i32, i32
  }
  func.func @transform_5(%arg0: i32) -> (i32, i32) {
    %c0_i32 = arith.constant 0 : i32
    %c0_i32_0 = arith.constant 0 : i32
    %c0_i32_1 = arith.constant 0 : i32
    return %c0_i32, %c0_i32_0 : i32, i32
  }
  func.func @transform_6(%arg0: i32) -> (i32, i32) {
    %c0_i32 = arith.constant 0 : i32
    %c0_i32_0 = arith.constant 0 : i32
    %c0_i32_1 = arith.constant 0 : i32
    return %c0_i32, %c0_i32_0 : i32, i32
  }
}

module attributes {stable_mosaic.version = 14 : i64} {
  func.func @_pass_d_body(%arg0: i32, %arg1: memref<1024x64xf32, #tpu.memory_space<vmem>>, %arg2: memref<8x64xf32, #tpu.memory_space<vmem>>, %arg3: memref<1024x64xf32, #tpu.memory_space<vmem>>) attributes {dimension_semantics = [#tpu.dimension_semantics<arbitrary>], iteration_bounds = array<i64: 4>, scalar_prefetch = 0 : i64, scratch_operands = 0 : i64, tpu.core_type = #tpu.core_type<tc>, window_params = [{transform_indices = @transform_0, window_bounds = array<i64: 1024, 64>}, {pipeline_mode = #tpu.pipeline_mode<synchronous>, transform_indices = @transform_1, window_bounds = array<i64: 8, 64>}, {transform_indices = @transform_2, window_bounds = array<i64: 1024, 64>}]} {
    %get3A = arith.constant 0 : index
    %get3A_0 = arith.constant 0 : index
    %get3A_1 = vector.load %arg2[%get3A, %get3A_0] : memref<8x64xf32, #tpu.memory_space<vmem>>, vector<8x64xf32>
    %slice3A = vector.extract_strided_slice %get3A_1 {offsets = [0, 0], sizes = [1, 64], strides = [1, 1]} : vector<8x64xf32> to vector<1x64xf32>
    %slice3A_2 = vector.extract_strided_slice %get3A_1 {offsets = [1, 0], sizes = [1, 64], strides = [1, 1]} : vector<8x64xf32> to vector<1x64xf32>
    %get3A_3 = arith.constant 0 : index
    %get3A_4 = arith.constant 0 : index
    %get3A_5 = vector.load %arg1[%get3A_3, %get3A_4] : memref<1024x64xf32, #tpu.memory_space<vmem>>, vector<1024x64xf32>
    %mul3A = vector.broadcast %slice3A : vector<1x64xf32> to vector<1024x64xf32>
    %mul3A_6 = arith.mulf %get3A_5, %mul3A : vector<1024x64xf32>
    %add3A = vector.broadcast %slice3A_2 : vector<1x64xf32> to vector<1024x64xf32>
    %add3A_7 = arith.addf %mul3A_6, %add3A : vector<1024x64xf32>
    %max3A = arith.constant 0.000000e+00 : f32
    %max3A_8 = vector.broadcast %max3A : f32 to vector<1024x64xf32>
    %max3A_9 = arith.maximumf %add3A_7, %max3A_8 : vector<1024x64xf32>
    %swap3A = arith.constant 0 : index
    %swap3A_10 = arith.constant 0 : index
    %swap3A_11 = vector.load %arg3[%swap3A, %swap3A_10] : memref<1024x64xf32, #tpu.memory_space<vmem>>, vector<1024x64xf32>
    tpu.vector_store %arg3[%swap3A, %swap3A_10], %max3A_9 {strides = array<i32>} : memref<1024x64xf32, #tpu.memory_space<vmem>>, vector<1024x64xf32>,
    return
  }
  func.func @transform_0(%arg0: i32) -> (i32, i32) {
    %c0_i32 = arith.constant 0 : i32
    %c0_i32_0 = arith.constant 0 : i32
    return %arg0, %c0_i32 : i32, i32
  }
  func.func @transform_1(%arg0: i32) -> (i32, i32) {
    %c0_i32 = arith.constant 0 : i32
    %c0_i32_0 = arith.constant 0 : i32
    %c0_i32_1 = arith.constant 0 : i32
    return %c0_i32, %c0_i32_0 : i32, i32
  }
  func.func @transform_2(%arg0: i32) -> (i32, i32) {
    %c0_i32 = arith.constant 0 : i32
    %c0_i32_0 = arith.constant 0 : i32
    return %arg0, %c0_i32 : i32, i32
  }
}

module attributes {stable_mosaic.version = 14 : i64} {
  func.func @_pass_a_body(%arg0: i32, %arg1: memref<128x32x48xf32, #tpu.memory_space<vmem>>, %arg2: memref<128x48xf32, #tpu.memory_space<vmem>>, %arg3: memref<48x64xf32, #tpu.memory_space<vmem>>, %arg4: memref<4096x64xbf16, #tpu.memory_space<vmem>>, %arg5: memref<8x64xf32, #tpu.memory_space<vmem>>, %arg6: memref<8x64xf32, #tpu.memory_space<vmem>>) attributes {dimension_semantics = [#tpu.dimension_semantics<arbitrary>], iteration_bounds = array<i64: 32>, scalar_prefetch = 0 : i64, scratch_operands = 0 : i64, tpu.core_type = #tpu.core_type<tc>, window_params = [{transform_indices = @transform_0, window_bounds = array<i64: 128, 32, 48>}, {transform_indices = @transform_1, window_bounds = array<i64: 128, 48>}, {pipeline_mode = #tpu.pipeline_mode<synchronous>, transform_indices = @transform_2, window_bounds = array<i64: 48, 64>}, {transform_indices = @transform_3, window_bounds = array<i64: 4096, 64>}, {pipeline_mode = #tpu.pipeline_mode<synchronous>, transform_indices = @transform_4, window_bounds = array<i64: 8, 64>}, {pipeline_mode = #tpu.pipeline_mode<synchronous>, transform_indices = @transform_5, window_bounds = array<i64: 8, 64>}]} {
    %get3A = arith.constant 0 : index
    %get3A_0 = arith.constant 0 : index
    %get3A_1 = arith.constant 0 : index
    %get3A_2 = vector.load %arg1[%get3A, %get3A_0, %get3A_1] : memref<128x32x48xf32, #tpu.memory_space<vmem>>, vector<128x32x48xf32>
    %get3A_3 = arith.constant 0 : index
    %get3A_4 = arith.constant 0 : index
    %get3A_5 = vector.load %arg2[%get3A_3, %get3A_4] : memref<128x48xf32, #tpu.memory_space<vmem>>, vector<128x48xf32>
    %broadcast_in_dim3A = vector.shape_cast %get3A_5 : vector<128x48xf32> to vector<128x1x48xf32>
    %sub3A = vector.broadcast %broadcast_in_dim3A : vector<128x1x48xf32> to vector<128x32x48xf32>
    %sub3A_6 = arith.subf %get3A_2, %sub3A : vector<128x32x48xf32>
    %reshape3A = vector.shape_cast %sub3A_6 : vector<128x32x48xf32> to vector<4096x48xf32>
    %get3A_7 = arith.constant 0 : index
    %get3A_8 = arith.constant 0 : index
    %get3A_9 = vector.load %arg3[%get3A_7, %get3A_8] : memref<48x64xf32, #tpu.memory_space<vmem>>, vector<48x64xf32>
    %dot_general3A = arith.constant dense<0.000000e+00> : vector<4096x64xf32>
    %dot_general3A_10 = tpu.matmul %reshape3A, %get3A_9, %dot_general3A {dimension_numbers = #tpu.dot_dimension_numbers<[1], [0], [0], [1], [0, 0, 1, 1], [], []>, transpose_lhs_hint = false} : vector<4096x48xf32>, vector<48x64xf32>, vector<4096x64xf32> -> vector<4096x64xf32>
    %convert_element_type3A = arith.truncf %dot_general3A_10 : vector<4096x64xf32> to vector<4096x64xbf16>
    %swap3A = arith.constant 0 : index
    %swap3A_11 = arith.constant 0 : index
    %swap3A_12 = vector.load %arg4[%swap3A, %swap3A_11] : memref<4096x64xbf16, #tpu.memory_space<vmem>>, vector<4096x64xbf16>
    tpu.vector_store %arg4[%swap3A, %swap3A_11], %convert_element_type3A {strides = array<i32>} : memref<4096x64xbf16, #tpu.memory_space<vmem>>, vector<4096x64xbf16>,
    %eq3A = arith.constant 0 : i32
    %eq3A_13 = arith.cmpi eq, %arg0, %eq3A : i32
    %convert_element_type3A_14 = arith.extui %eq3A_13 : i1 to i32
    %cond3A = arith.constant 0 : i32
    %cond3A_15 = arith.cmpi ne, %convert_element_type3A_14, %cond3A : i32
    scf.if %cond3A_15 {
      %broadcast_in_dim3A_34 = arith.constant 0.000000e+00 : f32
      %broadcast_in_dim3A_35 = vector.broadcast %broadcast_in_dim3A_34 : f32 to vector<8x64xf32>
      %swap3A_36 = arith.constant 0 : index
      %swap3A_37 = arith.constant 0 : index
      %swap3A_38 = vector.load %arg5[%swap3A_36, %swap3A_37] : memref<8x64xf32, #tpu.memory_space<vmem>>, vector<8x64xf32>
      tpu.vector_store %arg5[%swap3A_36, %swap3A_37], %broadcast_in_dim3A_35 {strides = array<i32>} : memref<8x64xf32, #tpu.memory_space<vmem>>, vector<8x64xf32>,
      %broadcast_in_dim3A_39 = arith.constant 0.000000e+00 : f32
      %broadcast_in_dim3A_40 = vector.broadcast %broadcast_in_dim3A_39 : f32 to vector<8x64xf32>
      %swap3A_41 = arith.constant 0 : index
      %swap3A_42 = arith.constant 0 : index
      %swap3A_43 = vector.load %arg6[%swap3A_41, %swap3A_42] : memref<8x64xf32, #tpu.memory_space<vmem>>, vector<8x64xf32>
      tpu.vector_store %arg6[%swap3A_41, %swap3A_42], %broadcast_in_dim3A_40 {strides = array<i32>} : memref<8x64xf32, #tpu.memory_space<vmem>>, vector<8x64xf32>,
    } else {
    }
    %get3A_16 = arith.constant 0 : index
    %get3A_17 = arith.constant 0 : index
    %get3A_18 = vector.load %arg5[%get3A_16, %get3A_17] : memref<8x64xf32, #tpu.memory_space<vmem>>, vector<1x64xf32>
    %reduce_sum3A = arith.constant dense<0.000000e+00> : vector<64xf32>
    %reduce_sum3A_19 = vector.multi_reduction <add>, %dot_general3A_10, %reduce_sum3A [0] : vector<4096x64xf32> to vector<64xf32>
    %broadcast_in_dim3A_20 = vector.shape_cast %reduce_sum3A_19 : vector<64xf32> to vector<1x64xf32>
    %add3A = arith.addf %get3A_18, %broadcast_in_dim3A_20 : vector<1x64xf32>
    %swap3A_21 = arith.constant 0 : index
    %swap3A_22 = arith.constant 0 : index
    %swap3A_23 = vector.load %arg5[%swap3A_21, %swap3A_22] : memref<8x64xf32, #tpu.memory_space<vmem>>, vector<1x64xf32>
    tpu.vector_store %arg5[%swap3A_21, %swap3A_22], %add3A {strides = array<i32>} : memref<8x64xf32, #tpu.memory_space<vmem>>, vector<1x64xf32>,
    %get3A_24 = arith.constant 0 : index
    %get3A_25 = arith.constant 0 : index
    %get3A_26 = vector.load %arg6[%get3A_24, %get3A_25] : memref<8x64xf32, #tpu.memory_space<vmem>>, vector<1x64xf32>
    %mul3A = arith.mulf %dot_general3A_10, %dot_general3A_10 : vector<4096x64xf32>
    %reduce_sum3A_27 = arith.constant dense<0.000000e+00> : vector<64xf32>
    %reduce_sum3A_28 = vector.multi_reduction <add>, %mul3A, %reduce_sum3A_27 [0] : vector<4096x64xf32> to vector<64xf32>
    %broadcast_in_dim3A_29 = vector.shape_cast %reduce_sum3A_28 : vector<64xf32> to vector<1x64xf32>
    %add3A_30 = arith.addf %get3A_26, %broadcast_in_dim3A_29 : vector<1x64xf32>
    %swap3A_31 = arith.constant 0 : index
    %swap3A_32 = arith.constant 0 : index
    %swap3A_33 = vector.load %arg6[%swap3A_31, %swap3A_32] : memref<8x64xf32, #tpu.memory_space<vmem>>, vector<1x64xf32>
    tpu.vector_store %arg6[%swap3A_31, %swap3A_32], %add3A_30 {strides = array<i32>} : memref<8x64xf32, #tpu.memory_space<vmem>>, vector<1x64xf32>,
    return
  }
  func.func @transform_0(%arg0: i32) -> (i32, i32, i32) {
    %c0_i32 = arith.constant 0 : i32
    %c0_i32_0 = arith.constant 0 : i32
    %c0_i32_1 = arith.constant 0 : i32
    return %arg0, %c0_i32, %c0_i32_0 : i32, i32, i32
  }
  func.func @transform_1(%arg0: i32) -> (i32, i32) {
    %c0_i32 = arith.constant 0 : i32
    %c0_i32_0 = arith.constant 0 : i32
    return %arg0, %c0_i32 : i32, i32
  }
  func.func @transform_2(%arg0: i32) -> (i32, i32) {
    %c0_i32 = arith.constant 0 : i32
    %c0_i32_0 = arith.constant 0 : i32
    %c0_i32_1 = arith.constant 0 : i32
    return %c0_i32, %c0_i32_0 : i32, i32
  }
  func.func @transform_3(%arg0: i32) -> (i32, i32) {
    %c0_i32 = arith.constant 0 : i32
    %c0_i32_0 = arith.constant 0 : i32
    return %arg0, %c0_i32 : i32, i32
  }
  func.func @transform_4(%arg0: i32) -> (i32, i32) {
    %c0_i32 = arith.constant 0 : i32
    %c0_i32_0 = arith.constant 0 : i32
    %c0_i32_1 = arith.constant 0 : i32
    return %c0_i32, %c0_i32_0 : i32, i32
  }
  func.func @transform_5(%arg0: i32) -> (i32, i32) {
    %c0_i32 = arith.constant 0 : i32
    %c0_i32_0 = arith.constant 0 : i32
    %c0_i32_1 = arith.constant 0 : i32
    return %c0_i32, %c0_i32_0 : i32, i32
  }
}

module attributes {stable_mosaic.version = 14 : i64} {
  func.func @_pass_bc_body(%arg0: i32, %arg1: memref<2048x64xbf16, #tpu.memory_space<vmem>>, %arg2: memref<8x64xf32, #tpu.memory_space<vmem>>, %arg3: memref<64x64xf32, #tpu.memory_space<vmem>>, %arg4: memref<8x64xf32, #tpu.memory_space<vmem>>, %arg5: memref<2048x64xbf16, #tpu.memory_space<vmem>>, %arg6: memref<8x64xf32, #tpu.memory_space<vmem>>, %arg7: memref<8x64xf32, #tpu.memory_space<vmem>>) attributes {dimension_semantics = [#tpu.dimension_semantics<arbitrary>], iteration_bounds = array<i64: 64>, scalar_prefetch = 0 : i64, scratch_operands = 0 : i64, tpu.core_type = #tpu.core_type<tc>, window_params = [{transform_indices = @transform_0, window_bounds = array<i64: 2048, 64>}, {pipeline_mode = #tpu.pipeline_mode<synchronous>, transform_indices = @transform_1, window_bounds = array<i64: 8, 64>}, {pipeline_mode = #tpu.pipeline_mode<synchronous>, transform_indices = @transform_2, window_bounds = array<i64: 64, 64>}, {pipeline_mode = #tpu.pipeline_mode<synchronous>, transform_indices = @transform_3, window_bounds = array<i64: 8, 64>}, {transform_indices = @transform_4, window_bounds = array<i64: 2048, 64>}, {pipeline_mode = #tpu.pipeline_mode<synchronous>, transform_indices = @transform_5, window_bounds = array<i64: 8, 64>}, {pipeline_mode = #tpu.pipeline_mode<synchronous>, transform_indices = @transform_6, window_bounds = array<i64: 8, 64>}]} {
    %get3A = arith.constant 0 : index
    %get3A_0 = arith.constant 0 : index
    %get3A_1 = vector.load %arg2[%get3A, %get3A_0] : memref<8x64xf32, #tpu.memory_space<vmem>>, vector<8x64xf32>
    %slice3A = vector.extract_strided_slice %get3A_1 {offsets = [0, 0], sizes = [1, 64], strides = [1, 1]} : vector<8x64xf32> to vector<1x64xf32>
    %slice3A_2 = vector.extract_strided_slice %get3A_1 {offsets = [1, 0], sizes = [1, 64], strides = [1, 1]} : vector<8x64xf32> to vector<1x64xf32>
    %get3A_3 = arith.constant 0 : index
    %get3A_4 = arith.constant 0 : index
    %get3A_5 = vector.load %arg1[%get3A_3, %get3A_4] : memref<2048x64xbf16, #tpu.memory_space<vmem>>, vector<2048x64xbf16>
    %convert_element_type3A = arith.extf %get3A_5 : vector<2048x64xbf16> to vector<2048x64xf32>
    %mul3A = vector.broadcast %slice3A : vector<1x64xf32> to vector<2048x64xf32>
    %mul3A_6 = arith.mulf %convert_element_type3A, %mul3A : vector<2048x64xf32>
    %add3A = vector.broadcast %slice3A_2 : vector<1x64xf32> to vector<2048x64xf32>
    %add3A_7 = arith.addf %mul3A_6, %add3A : vector<2048x64xf32>
    %max3A = arith.constant 0.000000e+00 : f32
    %max3A_8 = vector.broadcast %max3A : f32 to vector<2048x64xf32>
    %max3A_9 = arith.maximumf %add3A_7, %max3A_8 : vector<2048x64xf32>
    %get3A_10 = arith.constant 0 : index
    %get3A_11 = arith.constant 0 : index
    %get3A_12 = vector.load %arg3[%get3A_10, %get3A_11] : memref<64x64xf32, #tpu.memory_space<vmem>>, vector<64x64xf32>
    %dot_general3A = arith.constant dense<0.000000e+00> : vector<2048x64xf32>
    %dot_general3A_13 = tpu.matmul %max3A_9, %get3A_12, %dot_general3A {dimension_numbers = #tpu.dot_dimension_numbers<[1], [0], [0], [1], [0, 0, 1, 1], [], []>, transpose_lhs_hint = false} : vector<2048x64xf32>, vector<64x64xf32>, vector<2048x64xf32> -> vector<2048x64xf32>
    %get3A_14 = arith.constant 0 : index
    %get3A_15 = arith.constant 0 : index
    %get3A_16 = vector.load %arg4[%get3A_14, %get3A_15] : memref<8x64xf32, #tpu.memory_space<vmem>>, vector<1x64xf32>
    %add3A_17 = vector.broadcast %get3A_16 : vector<1x64xf32> to vector<2048x64xf32>
    %add3A_18 = arith.addf %dot_general3A_13, %add3A_17 : vector<2048x64xf32>
    %convert_element_type3A_19 = arith.truncf %add3A_18 : vector<2048x64xf32> to vector<2048x64xbf16>
    %swap3A = arith.constant 0 : index
    %swap3A_20 = arith.constant 0 : index
    %swap3A_21 = vector.load %arg5[%swap3A, %swap3A_20] : memref<2048x64xbf16, #tpu.memory_space<vmem>>, vector<2048x64xbf16>
    tpu.vector_store %arg5[%swap3A, %swap3A_20], %convert_element_type3A_19 {strides = array<i32>} : memref<2048x64xbf16, #tpu.memory_space<vmem>>, vector<2048x64xbf16>,
    %eq3A = arith.constant 0 : i32
    %eq3A_22 = arith.cmpi eq, %arg0, %eq3A : i32
    %convert_element_type3A_23 = arith.extui %eq3A_22 : i1 to i32
    %cond3A = arith.constant 0 : i32
    %cond3A_24 = arith.cmpi ne, %convert_element_type3A_23, %cond3A : i32
    scf.if %cond3A_24 {
      %broadcast_in_dim3A_44 = arith.constant 0.000000e+00 : f32
      %broadcast_in_dim3A_45 = vector.broadcast %broadcast_in_dim3A_44 : f32 to vector<8x64xf32>
      %swap3A_46 = arith.constant 0 : index
      %swap3A_47 = arith.constant 0 : index
      %swap3A_48 = vector.load %arg6[%swap3A_46, %swap3A_47] : memref<8x64xf32, #tpu.memory_space<vmem>>, vector<8x64xf32>
      tpu.vector_store %arg6[%swap3A_46, %swap3A_47], %broadcast_in_dim3A_45 {strides = array<i32>} : memref<8x64xf32, #tpu.memory_space<vmem>>, vector<8x64xf32>,
      %broadcast_in_dim3A_49 = arith.constant 0.000000e+00 : f32
      %broadcast_in_dim3A_50 = vector.broadcast %broadcast_in_dim3A_49 : f32 to vector<8x64xf32>
      %swap3A_51 = arith.constant 0 : index
      %swap3A_52 = arith.constant 0 : index
      %swap3A_53 = vector.load %arg7[%swap3A_51, %swap3A_52] : memref<8x64xf32, #tpu.memory_space<vmem>>, vector<8x64xf32>
      tpu.vector_store %arg7[%swap3A_51, %swap3A_52], %broadcast_in_dim3A_50 {strides = array<i32>} : memref<8x64xf32, #tpu.memory_space<vmem>>, vector<8x64xf32>,
    } else {
    }
    %get3A_25 = arith.constant 0 : index
    %get3A_26 = arith.constant 0 : index
    %get3A_27 = vector.load %arg6[%get3A_25, %get3A_26] : memref<8x64xf32, #tpu.memory_space<vmem>>, vector<1x64xf32>
    %reduce_sum3A = arith.constant dense<0.000000e+00> : vector<64xf32>
    %reduce_sum3A_28 = vector.multi_reduction <add>, %add3A_18, %reduce_sum3A [0] : vector<2048x64xf32> to vector<64xf32>
    %broadcast_in_dim3A = vector.shape_cast %reduce_sum3A_28 : vector<64xf32> to vector<1x64xf32>
    %add3A_29 = arith.addf %get3A_27, %broadcast_in_dim3A : vector<1x64xf32>
    %swap3A_30 = arith.constant 0 : index
    %swap3A_31 = arith.constant 0 : index
    %swap3A_32 = vector.load %arg6[%swap3A_30, %swap3A_31] : memref<8x64xf32, #tpu.memory_space<vmem>>, vector<1x64xf32>
    tpu.vector_store %arg6[%swap3A_30, %swap3A_31], %add3A_29 {strides = array<i32>} : memref<8x64xf32, #tpu.memory_space<vmem>>, vector<1x64xf32>,
    %get3A_33 = arith.constant 0 : index
    %get3A_34 = arith.constant 0 : index
    %get3A_35 = vector.load %arg7[%get3A_33, %get3A_34] : memref<8x64xf32, #tpu.memory_space<vmem>>, vector<1x64xf32>
    %mul3A_36 = arith.mulf %add3A_18, %add3A_18 : vector<2048x64xf32>
    %reduce_sum3A_37 = arith.constant dense<0.000000e+00> : vector<64xf32>
    %reduce_sum3A_38 = vector.multi_reduction <add>, %mul3A_36, %reduce_sum3A_37 [0] : vector<2048x64xf32> to vector<64xf32>
    %broadcast_in_dim3A_39 = vector.shape_cast %reduce_sum3A_38 : vector<64xf32> to vector<1x64xf32>
    %add3A_40 = arith.addf %get3A_35, %broadcast_in_dim3A_39 : vector<1x64xf32>
    %swap3A_41 = arith.constant 0 : index
    %swap3A_42 = arith.constant 0 : index
    %swap3A_43 = vector.load %arg7[%swap3A_41, %swap3A_42] : memref<8x64xf32, #tpu.memory_space<vmem>>, vector<1x64xf32>
    tpu.vector_store %arg7[%swap3A_41, %swap3A_42], %add3A_40 {strides = array<i32>} : memref<8x64xf32, #tpu.memory_space<vmem>>, vector<1x64xf32>,
    return
  }
  func.func @transform_0(%arg0: i32) -> (i32, i32) {
    %c0_i32 = arith.constant 0 : i32
    %c0_i32_0 = arith.constant 0 : i32
    return %arg0, %c0_i32 : i32, i32
  }
  func.func @transform_1(%arg0: i32) -> (i32, i32) {
    %c0_i32 = arith.constant 0 : i32
    %c0_i32_0 = arith.constant 0 : i32
    %c0_i32_1 = arith.constant 0 : i32
    return %c0_i32, %c0_i32_0 : i32, i32
  }
  func.func @transform_2(%arg0: i32) -> (i32, i32) {
    %c0_i32 = arith.constant 0 : i32
    %c0_i32_0 = arith.constant 0 : i32
    %c0_i32_1 = arith.constant 0 : i32
    return %c0_i32, %c0_i32_0 : i32, i32
  }
  func.func @transform_3(%arg0: i32) -> (i32, i32) {
    %c0_i32 = arith.constant 0 : i32
    %c0_i32_0 = arith.constant 0 : i32
    %c0_i32_1 = arith.constant 0 : i32
    return %c0_i32, %c0_i32_0 : i32, i32
  }
  func.func @transform_4(%arg0: i32) -> (i32, i32) {
    %c0_i32 = arith.constant 0 : i32
    %c0_i32_0 = arith.constant 0 : i32
    return %arg0, %c0_i32 : i32, i32
  }
  func.func @transform_5(%arg0: i32) -> (i32, i32) {
    %c0_i32 = arith.constant 0 : i32
    %c0_i32_0 = arith.constant 0 : i32
    %c0_i32_1 = arith.constant 0 : i32
    return %c0_i32, %c0_i32_0 : i32, i32
  }
  func.func @transform_6(%arg0: i32) -> (i32, i32) {
    %c0_i32 = arith.constant 0 : i32
    %c0_i32_0 = arith.constant 0 : i32
    %c0_i32_1 = arith.constant 0 : i32
    return %c0_i32, %c0_i32_0 : i32, i32
  }
}

module attributes {stable_mosaic.version = 14 : i64} {
  func.func @_pass_c_body(%arg0: i32, %arg1: memref<128x32x64xbf16, #tpu.memory_space<vmem>>, %arg2: memref<8x64xf32, #tpu.memory_space<vmem>>, %arg3: memref<64x128xf32, #tpu.memory_space<vmem>>, %arg4: memref<8x128xf32, #tpu.memory_space<vmem>>, %arg5: memref<128x128xf32, #tpu.memory_space<vmem>>, %arg6: memref<8x128xf32, #tpu.memory_space<vmem>>, %arg7: memref<8x128xf32, #tpu.memory_space<vmem>>) attributes {dimension_semantics = [#tpu.dimension_semantics<arbitrary>], iteration_bounds = array<i64: 32>, scalar_prefetch = 0 : i64, scratch_operands = 0 : i64, tpu.core_type = #tpu.core_type<tc>, window_params = [{transform_indices = @transform_0, window_bounds = array<i64: 128, 32, 64>}, {pipeline_mode = #tpu.pipeline_mode<synchronous>, transform_indices = @transform_1, window_bounds = array<i64: 8, 64>}, {pipeline_mode = #tpu.pipeline_mode<synchronous>, transform_indices = @transform_2, window_bounds = array<i64: 64, 128>}, {pipeline_mode = #tpu.pipeline_mode<synchronous>, transform_indices = @transform_3, window_bounds = array<i64: 8, 128>}, {transform_indices = @transform_4, window_bounds = array<i64: 128, 128>}, {pipeline_mode = #tpu.pipeline_mode<synchronous>, transform_indices = @transform_5, window_bounds = array<i64: 8, 128>}, {pipeline_mode = #tpu.pipeline_mode<synchronous>, transform_indices = @transform_6, window_bounds = array<i64: 8, 128>}]} {
    %get3A = arith.constant 0 : index
    %get3A_0 = arith.constant 0 : index
    %get3A_1 = vector.load %arg2[%get3A, %get3A_0] : memref<8x64xf32, #tpu.memory_space<vmem>>, vector<8x64xf32>
    %slice3A = vector.extract_strided_slice %get3A_1 {offsets = [0, 0], sizes = [1, 64], strides = [1, 1]} : vector<8x64xf32> to vector<1x64xf32>
    %reshape3A = vector.shape_cast %slice3A : vector<1x64xf32> to vector<1x1x64xf32>
    %slice3A_2 = vector.extract_strided_slice %get3A_1 {offsets = [1, 0], sizes = [1, 64], strides = [1, 1]} : vector<8x64xf32> to vector<1x64xf32>
    %reshape3A_3 = vector.shape_cast %slice3A_2 : vector<1x64xf32> to vector<1x1x64xf32>
    %get3A_4 = arith.constant 0 : index
    %get3A_5 = arith.constant 0 : index
    %get3A_6 = arith.constant 0 : index
    %get3A_7 = vector.load %arg1[%get3A_4, %get3A_5, %get3A_6] : memref<128x32x64xbf16, #tpu.memory_space<vmem>>, vector<128x32x64xbf16>
    %convert_element_type3A = arith.extf %get3A_7 : vector<128x32x64xbf16> to vector<128x32x64xf32>
    %mul3A = vector.broadcast %reshape3A : vector<1x1x64xf32> to vector<128x32x64xf32>
    %mul3A_8 = arith.mulf %convert_element_type3A, %mul3A : vector<128x32x64xf32>
    %add3A = vector.broadcast %reshape3A_3 : vector<1x1x64xf32> to vector<128x32x64xf32>
    %add3A_9 = arith.addf %mul3A_8, %add3A : vector<128x32x64xf32>
    %max3A = arith.constant 0.000000e+00 : f32
    %max3A_10 = vector.broadcast %max3A : f32 to vector<128x32x64xf32>
    %max3A_11 = arith.maximumf %add3A_9, %max3A_10 : vector<128x32x64xf32>
    %reshape3A_12 = vector.shape_cast %max3A_11 : vector<128x32x64xf32> to vector<4096x64xf32>
    %get3A_13 = arith.constant 0 : index
    %get3A_14 = arith.constant 0 : index
    %get3A_15 = vector.load %arg3[%get3A_13, %get3A_14] : memref<64x128xf32, #tpu.memory_space<vmem>>, vector<64x128xf32>
    %dot_general3A = arith.constant dense<0.000000e+00> : vector<4096x128xf32>
    %dot_general3A_16 = tpu.matmul %reshape3A_12, %get3A_15, %dot_general3A {dimension_numbers = #tpu.dot_dimension_numbers<[1], [0], [0], [1], [0, 0, 1, 1], [], []>, transpose_lhs_hint = false} : vector<4096x64xf32>, vector<64x128xf32>, vector<4096x128xf32> -> vector<4096x128xf32>
    %get3A_17 = arith.constant 0 : index
    %get3A_18 = arith.constant 0 : index
    %get3A_19 = vector.load %arg4[%get3A_17, %get3A_18] : memref<8x128xf32, #tpu.memory_space<vmem>>, vector<1x128xf32>
    %add3A_20 = vector.broadcast %get3A_19 : vector<1x128xf32> to vector<4096x128xf32>
    %add3A_21 = arith.addf %dot_general3A_16, %add3A_20 : vector<4096x128xf32>
    %eq3A = arith.constant 0 : i32
    %eq3A_22 = arith.cmpi eq, %arg0, %eq3A : i32
    %convert_element_type3A_23 = arith.extui %eq3A_22 : i1 to i32
    %cond3A = arith.constant 0 : i32
    %cond3A_24 = arith.cmpi ne, %convert_element_type3A_23, %cond3A : i32
    scf.if %cond3A_24 {
      %broadcast_in_dim3A_48 = arith.constant 0.000000e+00 : f32
      %broadcast_in_dim3A_49 = vector.broadcast %broadcast_in_dim3A_48 : f32 to vector<8x128xf32>
      %swap3A_50 = arith.constant 0 : index
      %swap3A_51 = arith.constant 0 : index
      %swap3A_52 = vector.load %arg6[%swap3A_50, %swap3A_51] : memref<8x128xf32, #tpu.memory_space<vmem>>, vector<8x128xf32>
      tpu.vector_store %arg6[%swap3A_50, %swap3A_51], %broadcast_in_dim3A_49 {strides = array<i32>} : memref<8x128xf32, #tpu.memory_space<vmem>>, vector<8x128xf32>,
      %broadcast_in_dim3A_53 = arith.constant 0.000000e+00 : f32
      %broadcast_in_dim3A_54 = vector.broadcast %broadcast_in_dim3A_53 : f32 to vector<8x128xf32>
      %swap3A_55 = arith.constant 0 : index
      %swap3A_56 = arith.constant 0 : index
      %swap3A_57 = vector.load %arg7[%swap3A_55, %swap3A_56] : memref<8x128xf32, #tpu.memory_space<vmem>>, vector<8x128xf32>
      tpu.vector_store %arg7[%swap3A_55, %swap3A_56], %broadcast_in_dim3A_54 {strides = array<i32>} : memref<8x128xf32, #tpu.memory_space<vmem>>, vector<8x128xf32>,
    } else {
    }
    %get3A_25 = arith.constant 0 : index
    %get3A_26 = arith.constant 0 : index
    %get3A_27 = vector.load %arg6[%get3A_25, %get3A_26] : memref<8x128xf32, #tpu.memory_space<vmem>>, vector<1x128xf32>
    %reduce_sum3A = arith.constant dense<0.000000e+00> : vector<128xf32>
    %reduce_sum3A_28 = vector.multi_reduction <add>, %add3A_21, %reduce_sum3A [0] : vector<4096x128xf32> to vector<128xf32>
    %broadcast_in_dim3A = vector.shape_cast %reduce_sum3A_28 : vector<128xf32> to vector<1x128xf32>
    %add3A_29 = arith.addf %get3A_27, %broadcast_in_dim3A : vector<1x128xf32>
    %swap3A = arith.constant 0 : index
    %swap3A_30 = arith.constant 0 : index
    %swap3A_31 = vector.load %arg6[%swap3A, %swap3A_30] : memref<8x128xf32, #tpu.memory_space<vmem>>, vector<1x128xf32>
    tpu.vector_store %arg6[%swap3A, %swap3A_30], %add3A_29 {strides = array<i32>} : memref<8x128xf32, #tpu.memory_space<vmem>>, vector<1x128xf32>,
    %get3A_32 = arith.constant 0 : index
    %get3A_33 = arith.constant 0 : index
    %get3A_34 = vector.load %arg7[%get3A_32, %get3A_33] : memref<8x128xf32, #tpu.memory_space<vmem>>, vector<1x128xf32>
    %mul3A_35 = arith.mulf %add3A_21, %add3A_21 : vector<4096x128xf32>
    %reduce_sum3A_36 = arith.constant dense<0.000000e+00> : vector<128xf32>
    %reduce_sum3A_37 = vector.multi_reduction <add>, %mul3A_35, %reduce_sum3A_36 [0] : vector<4096x128xf32> to vector<128xf32>
    %broadcast_in_dim3A_38 = vector.shape_cast %reduce_sum3A_37 : vector<128xf32> to vector<1x128xf32>
    %add3A_39 = arith.addf %get3A_34, %broadcast_in_dim3A_38 : vector<1x128xf32>
    %swap3A_40 = arith.constant 0 : index
    %swap3A_41 = arith.constant 0 : index
    %swap3A_42 = vector.load %arg7[%swap3A_40, %swap3A_41] : memref<8x128xf32, #tpu.memory_space<vmem>>, vector<1x128xf32>
    tpu.vector_store %arg7[%swap3A_40, %swap3A_41], %add3A_39 {strides = array<i32>} : memref<8x128xf32, #tpu.memory_space<vmem>>, vector<1x128xf32>,
    %reshape3A_43 = vector.shape_cast %add3A_21 : vector<4096x128xf32> to vector<128x32x128xf32>
    %reduce_max3A = arith.constant dense<0xFF800000> : vector<128x128xf32>
    %reduce_max3A_44 = vector.multi_reduction <maximumf>, %reshape3A_43, %reduce_max3A [1] : vector<128x32x128xf32> to vector<128x128xf32>
    %swap3A_45 = arith.constant 0 : index
    %swap3A_46 = arith.constant 0 : index
    %swap3A_47 = vector.load %arg5[%swap3A_45, %swap3A_46] : memref<128x128xf32, #tpu.memory_space<vmem>>, vector<128x128xf32>
    tpu.vector_store %arg5[%swap3A_45, %swap3A_46], %reduce_max3A_44 {strides = array<i32>} : memref<128x128xf32, #tpu.memory_space<vmem>>, vector<128x128xf32>,
    return
  }
  func.func @transform_0(%arg0: i32) -> (i32, i32, i32) {
    %c0_i32 = arith.constant 0 : i32
    %c0_i32_0 = arith.constant 0 : i32
    %c0_i32_1 = arith.constant 0 : i32
    return %arg0, %c0_i32, %c0_i32_0 : i32, i32, i32
  }
  func.func @transform_1(%arg0: i32) -> (i32, i32) {
    %c0_i32 = arith.constant 0 : i32
    %c0_i32_0 = arith.constant 0 : i32
    %c0_i32_1 = arith.constant 0 : i32
    return %c0_i32, %c0_i32_0 : i32, i32
  }
  func.func @transform_2(%arg0: i32) -> (i32, i32) {
    %c0_i32 = arith.constant 0 : i32
    %c0_i32_0 = arith.constant 0 : i32
    %c0_i32_1 = arith.constant 0 : i32
    return %c0_i32, %c0_i32_0 : i32, i32
  }
  func.func @transform_3(%arg0: i32) -> (i32, i32) {
    %c0_i32 = arith.constant 0 : i32
    %c0_i32_0 = arith.constant 0 : i32
    %c0_i32_1 = arith.constant 0 : i32
    return %c0_i32, %c0_i32_0 : i32, i32
  }
  func.func @transform_4(%arg0: i32) -> (i32, i32) {
    %c0_i32 = arith.constant 0 : i32
    %c0_i32_0 = arith.constant 0 : i32
    return %arg0, %c0_i32 : i32, i32
  }
  func.func @transform_5(%arg0: i32) -> (i32, i32) {
    %c0_i32 = arith.constant 0 : i32
    %c0_i32_0 = arith.constant 0 : i32
    %c0_i32_1 = arith.constant 0 : i32
    return %c0_i32, %c0_i32_0 : i32, i32
  }
  func.func @transform_6(%arg0: i32) -> (i32, i32) {
    %c0_i32 = arith.constant 0 : i32
    %c0_i32_0 = arith.constant 0 : i32
    %c0_i32_1 = arith.constant 0 : i32
    return %c0_i32, %c0_i32_0 : i32, i32
  }
}

module attributes {stable_mosaic.version = 14 : i64} {
  func.func @_pass_d_body(%arg0: i32, %arg1: memref<1024x128xf32, #tpu.memory_space<vmem>>, %arg2: memref<8x128xf32, #tpu.memory_space<vmem>>, %arg3: memref<1024x128xf32, #tpu.memory_space<vmem>>) attributes {dimension_semantics = [#tpu.dimension_semantics<arbitrary>], iteration_bounds = array<i64: 4>, scalar_prefetch = 0 : i64, scratch_operands = 0 : i64, tpu.core_type = #tpu.core_type<tc>, window_params = [{transform_indices = @transform_0, window_bounds = array<i64: 1024, 128>}, {pipeline_mode = #tpu.pipeline_mode<synchronous>, transform_indices = @transform_1, window_bounds = array<i64: 8, 128>}, {transform_indices = @transform_2, window_bounds = array<i64: 1024, 128>}]} {
    %get3A = arith.constant 0 : index
    %get3A_0 = arith.constant 0 : index
    %get3A_1 = vector.load %arg2[%get3A, %get3A_0] : memref<8x128xf32, #tpu.memory_space<vmem>>, vector<8x128xf32>
    %slice3A = vector.extract_strided_slice %get3A_1 {offsets = [0, 0], sizes = [1, 128], strides = [1, 1]} : vector<8x128xf32> to vector<1x128xf32>
    %slice3A_2 = vector.extract_strided_slice %get3A_1 {offsets = [1, 0], sizes = [1, 128], strides = [1, 1]} : vector<8x128xf32> to vector<1x128xf32>
    %get3A_3 = arith.constant 0 : index
    %get3A_4 = arith.constant 0 : index
    %get3A_5 = vector.load %arg1[%get3A_3, %get3A_4] : memref<1024x128xf32, #tpu.memory_space<vmem>>, vector<1024x128xf32>
    %mul3A = vector.broadcast %slice3A : vector<1x128xf32> to vector<1024x128xf32>
    %mul3A_6 = arith.mulf %get3A_5, %mul3A : vector<1024x128xf32>
    %add3A = vector.broadcast %slice3A_2 : vector<1x128xf32> to vector<1024x128xf32>
    %add3A_7 = arith.addf %mul3A_6, %add3A : vector<1024x128xf32>
    %max3A = arith.constant 0.000000e+00 : f32
    %max3A_8 = vector.broadcast %max3A : f32 to vector<1024x128xf32>
    %max3A_9 = arith.maximumf %add3A_7, %max3A_8 : vector<1024x128xf32>
    %swap3A = arith.constant 0 : index
    %swap3A_10 = arith.constant 0 : index
    %swap3A_11 = vector.load %arg3[%swap3A, %swap3A_10] : memref<1024x128xf32, #tpu.memory_space<vmem>>, vector<1024x128xf32>
    tpu.vector_store %arg3[%swap3A, %swap3A_10], %max3A_9 {strides = array<i32>} : memref<1024x128xf32, #tpu.memory_space<vmem>>, vector<1024x128xf32>,
    return
  }
  func.func @transform_0(%arg0: i32) -> (i32, i32) {
    %c0_i32 = arith.constant 0 : i32
    %c0_i32_0 = arith.constant 0 : i32
    return %arg0, %c0_i32 : i32, i32
  }
  func.func @transform_1(%arg0: i32) -> (i32, i32) {
    %c0_i32 = arith.constant 0 : i32
    %c0_i32_0 = arith.constant 0 : i32
    %c0_i32_1 = arith.constant 0 : i32
    return %c0_i32, %c0_i32_0 : i32, i32
  }
  func.func @transform_2(%arg0: i32) -> (i32, i32) {
    %c0_i32 = arith.constant 0 : i32
    %c0_i32_0 = arith.constant 0 : i32
    return %arg0, %c0_i32 : i32, i32
  }
}

module attributes {stable_mosaic.version = 14 : i64} {
  func.func @_pass_a_body(%arg0: i32, %arg1: memref<128x64x48xf32, #tpu.memory_space<vmem>>, %arg2: memref<128x48xf32, #tpu.memory_space<vmem>>, %arg3: memref<48x64xf32, #tpu.memory_space<vmem>>, %arg4: memref<8192x64xbf16, #tpu.memory_space<vmem>>, %arg5: memref<8x64xf32, #tpu.memory_space<vmem>>, %arg6: memref<8x64xf32, #tpu.memory_space<vmem>>) attributes {dimension_semantics = [#tpu.dimension_semantics<arbitrary>], iteration_bounds = array<i64: 32>, scalar_prefetch = 0 : i64, scratch_operands = 0 : i64, tpu.core_type = #tpu.core_type<tc>, window_params = [{transform_indices = @transform_0, window_bounds = array<i64: 128, 64, 48>}, {transform_indices = @transform_1, window_bounds = array<i64: 128, 48>}, {pipeline_mode = #tpu.pipeline_mode<synchronous>, transform_indices = @transform_2, window_bounds = array<i64: 48, 64>}, {transform_indices = @transform_3, window_bounds = array<i64: 8192, 64>}, {pipeline_mode = #tpu.pipeline_mode<synchronous>, transform_indices = @transform_4, window_bounds = array<i64: 8, 64>}, {pipeline_mode = #tpu.pipeline_mode<synchronous>, transform_indices = @transform_5, window_bounds = array<i64: 8, 64>}]} {
    %get3A = arith.constant 0 : index
    %get3A_0 = arith.constant 0 : index
    %get3A_1 = arith.constant 0 : index
    %get3A_2 = vector.load %arg1[%get3A, %get3A_0, %get3A_1] : memref<128x64x48xf32, #tpu.memory_space<vmem>>, vector<128x64x48xf32>
    %get3A_3 = arith.constant 0 : index
    %get3A_4 = arith.constant 0 : index
    %get3A_5 = vector.load %arg2[%get3A_3, %get3A_4] : memref<128x48xf32, #tpu.memory_space<vmem>>, vector<128x48xf32>
    %broadcast_in_dim3A = vector.shape_cast %get3A_5 : vector<128x48xf32> to vector<128x1x48xf32>
    %sub3A = vector.broadcast %broadcast_in_dim3A : vector<128x1x48xf32> to vector<128x64x48xf32>
    %sub3A_6 = arith.subf %get3A_2, %sub3A : vector<128x64x48xf32>
    %reshape3A = vector.shape_cast %sub3A_6 : vector<128x64x48xf32> to vector<8192x48xf32>
    %get3A_7 = arith.constant 0 : index
    %get3A_8 = arith.constant 0 : index
    %get3A_9 = vector.load %arg3[%get3A_7, %get3A_8] : memref<48x64xf32, #tpu.memory_space<vmem>>, vector<48x64xf32>
    %dot_general3A = arith.constant dense<0.000000e+00> : vector<8192x64xf32>
    %dot_general3A_10 = tpu.matmul %reshape3A, %get3A_9, %dot_general3A {dimension_numbers = #tpu.dot_dimension_numbers<[1], [0], [0], [1], [0, 0, 1, 1], [], []>, transpose_lhs_hint = false} : vector<8192x48xf32>, vector<48x64xf32>, vector<8192x64xf32> -> vector<8192x64xf32>
    %convert_element_type3A = arith.truncf %dot_general3A_10 : vector<8192x64xf32> to vector<8192x64xbf16>
    %swap3A = arith.constant 0 : index
    %swap3A_11 = arith.constant 0 : index
    %swap3A_12 = vector.load %arg4[%swap3A, %swap3A_11] : memref<8192x64xbf16, #tpu.memory_space<vmem>>, vector<8192x64xbf16>
    tpu.vector_store %arg4[%swap3A, %swap3A_11], %convert_element_type3A {strides = array<i32>} : memref<8192x64xbf16, #tpu.memory_space<vmem>>, vector<8192x64xbf16>,
    %eq3A = arith.constant 0 : i32
    %eq3A_13 = arith.cmpi eq, %arg0, %eq3A : i32
    %convert_element_type3A_14 = arith.extui %eq3A_13 : i1 to i32
    %cond3A = arith.constant 0 : i32
    %cond3A_15 = arith.cmpi ne, %convert_element_type3A_14, %cond3A : i32
    scf.if %cond3A_15 {
      %broadcast_in_dim3A_34 = arith.constant 0.000000e+00 : f32
      %broadcast_in_dim3A_35 = vector.broadcast %broadcast_in_dim3A_34 : f32 to vector<8x64xf32>
      %swap3A_36 = arith.constant 0 : index
      %swap3A_37 = arith.constant 0 : index
      %swap3A_38 = vector.load %arg5[%swap3A_36, %swap3A_37] : memref<8x64xf32, #tpu.memory_space<vmem>>, vector<8x64xf32>
      tpu.vector_store %arg5[%swap3A_36, %swap3A_37], %broadcast_in_dim3A_35 {strides = array<i32>} : memref<8x64xf32, #tpu.memory_space<vmem>>, vector<8x64xf32>,
      %broadcast_in_dim3A_39 = arith.constant 0.000000e+00 : f32
      %broadcast_in_dim3A_40 = vector.broadcast %broadcast_in_dim3A_39 : f32 to vector<8x64xf32>
      %swap3A_41 = arith.constant 0 : index
      %swap3A_42 = arith.constant 0 : index
      %swap3A_43 = vector.load %arg6[%swap3A_41, %swap3A_42] : memref<8x64xf32, #tpu.memory_space<vmem>>, vector<8x64xf32>
      tpu.vector_store %arg6[%swap3A_41, %swap3A_42], %broadcast_in_dim3A_40 {strides = array<i32>} : memref<8x64xf32, #tpu.memory_space<vmem>>, vector<8x64xf32>,
    } else {
    }
    %get3A_16 = arith.constant 0 : index
    %get3A_17 = arith.constant 0 : index
    %get3A_18 = vector.load %arg5[%get3A_16, %get3A_17] : memref<8x64xf32, #tpu.memory_space<vmem>>, vector<1x64xf32>
    %reduce_sum3A = arith.constant dense<0.000000e+00> : vector<64xf32>
    %reduce_sum3A_19 = vector.multi_reduction <add>, %dot_general3A_10, %reduce_sum3A [0] : vector<8192x64xf32> to vector<64xf32>
    %broadcast_in_dim3A_20 = vector.shape_cast %reduce_sum3A_19 : vector<64xf32> to vector<1x64xf32>
    %add3A = arith.addf %get3A_18, %broadcast_in_dim3A_20 : vector<1x64xf32>
    %swap3A_21 = arith.constant 0 : index
    %swap3A_22 = arith.constant 0 : index
    %swap3A_23 = vector.load %arg5[%swap3A_21, %swap3A_22] : memref<8x64xf32, #tpu.memory_space<vmem>>, vector<1x64xf32>
    tpu.vector_store %arg5[%swap3A_21, %swap3A_22], %add3A {strides = array<i32>} : memref<8x64xf32, #tpu.memory_space<vmem>>, vector<1x64xf32>,
    %get3A_24 = arith.constant 0 : index
    %get3A_25 = arith.constant 0 : index
    %get3A_26 = vector.load %arg6[%get3A_24, %get3A_25] : memref<8x64xf32, #tpu.memory_space<vmem>>, vector<1x64xf32>
    %mul3A = arith.mulf %dot_general3A_10, %dot_general3A_10 : vector<8192x64xf32>
    %reduce_sum3A_27 = arith.constant dense<0.000000e+00> : vector<64xf32>
    %reduce_sum3A_28 = vector.multi_reduction <add>, %mul3A, %reduce_sum3A_27 [0] : vector<8192x64xf32> to vector<64xf32>
    %broadcast_in_dim3A_29 = vector.shape_cast %reduce_sum3A_28 : vector<64xf32> to vector<1x64xf32>
    %add3A_30 = arith.addf %get3A_26, %broadcast_in_dim3A_29 : vector<1x64xf32>
    %swap3A_31 = arith.constant 0 : index
    %swap3A_32 = arith.constant 0 : index
    %swap3A_33 = vector.load %arg6[%swap3A_31, %swap3A_32] : memref<8x64xf32, #tpu.memory_space<vmem>>, vector<1x64xf32>
    tpu.vector_store %arg6[%swap3A_31, %swap3A_32], %add3A_30 {strides = array<i32>} : memref<8x64xf32, #tpu.memory_space<vmem>>, vector<1x64xf32>,
    return
  }
  func.func @transform_0(%arg0: i32) -> (i32, i32, i32) {
    %c0_i32 = arith.constant 0 : i32
    %c0_i32_0 = arith.constant 0 : i32
    %c0_i32_1 = arith.constant 0 : i32
    return %arg0, %c0_i32, %c0_i32_0 : i32, i32, i32
  }
  func.func @transform_1(%arg0: i32) -> (i32, i32) {
    %c0_i32 = arith.constant 0 : i32
    %c0_i32_0 = arith.constant 0 : i32
    return %arg0, %c0_i32 : i32, i32
  }
  func.func @transform_2(%arg0: i32) -> (i32, i32) {
    %c0_i32 = arith.constant 0 : i32
    %c0_i32_0 = arith.constant 0 : i32
    %c0_i32_1 = arith.constant 0 : i32
    return %c0_i32, %c0_i32_0 : i32, i32
  }
  func.func @transform_3(%arg0: i32) -> (i32, i32) {
    %c0_i32 = arith.constant 0 : i32
    %c0_i32_0 = arith.constant 0 : i32
    return %arg0, %c0_i32 : i32, i32
  }
  func.func @transform_4(%arg0: i32) -> (i32, i32) {
    %c0_i32 = arith.constant 0 : i32
    %c0_i32_0 = arith.constant 0 : i32
    %c0_i32_1 = arith.constant 0 : i32
    return %c0_i32, %c0_i32_0 : i32, i32
  }
  func.func @transform_5(%arg0: i32) -> (i32, i32) {
    %c0_i32 = arith.constant 0 : i32
    %c0_i32_0 = arith.constant 0 : i32
    %c0_i32_1 = arith.constant 0 : i32
    return %c0_i32, %c0_i32_0 : i32, i32
  }
}

module attributes {stable_mosaic.version = 14 : i64} {
  func.func @_pass_bc_body(%arg0: i32, %arg1: memref<2048x64xbf16, #tpu.memory_space<vmem>>, %arg2: memref<8x64xf32, #tpu.memory_space<vmem>>, %arg3: memref<64x96xf32, #tpu.memory_space<vmem>>, %arg4: memref<8x96xf32, #tpu.memory_space<vmem>>, %arg5: memref<2048x96xbf16, #tpu.memory_space<vmem>>, %arg6: memref<8x96xf32, #tpu.memory_space<vmem>>, %arg7: memref<8x96xf32, #tpu.memory_space<vmem>>) attributes {dimension_semantics = [#tpu.dimension_semantics<arbitrary>], iteration_bounds = array<i64: 128>, scalar_prefetch = 0 : i64, scratch_operands = 0 : i64, tpu.core_type = #tpu.core_type<tc>, window_params = [{transform_indices = @transform_0, window_bounds = array<i64: 2048, 64>}, {pipeline_mode = #tpu.pipeline_mode<synchronous>, transform_indices = @transform_1, window_bounds = array<i64: 8, 64>}, {pipeline_mode = #tpu.pipeline_mode<synchronous>, transform_indices = @transform_2, window_bounds = array<i64: 64, 96>}, {pipeline_mode = #tpu.pipeline_mode<synchronous>, transform_indices = @transform_3, window_bounds = array<i64: 8, 96>}, {transform_indices = @transform_4, window_bounds = array<i64: 2048, 96>}, {pipeline_mode = #tpu.pipeline_mode<synchronous>, transform_indices = @transform_5, window_bounds = array<i64: 8, 96>}, {pipeline_mode = #tpu.pipeline_mode<synchronous>, transform_indices = @transform_6, window_bounds = array<i64: 8, 96>}]} {
    %get3A = arith.constant 0 : index
    %get3A_0 = arith.constant 0 : index
    %get3A_1 = vector.load %arg2[%get3A, %get3A_0] : memref<8x64xf32, #tpu.memory_space<vmem>>, vector<8x64xf32>
    %slice3A = vector.extract_strided_slice %get3A_1 {offsets = [0, 0], sizes = [1, 64], strides = [1, 1]} : vector<8x64xf32> to vector<1x64xf32>
    %slice3A_2 = vector.extract_strided_slice %get3A_1 {offsets = [1, 0], sizes = [1, 64], strides = [1, 1]} : vector<8x64xf32> to vector<1x64xf32>
    %get3A_3 = arith.constant 0 : index
    %get3A_4 = arith.constant 0 : index
    %get3A_5 = vector.load %arg1[%get3A_3, %get3A_4] : memref<2048x64xbf16, #tpu.memory_space<vmem>>, vector<2048x64xbf16>
    %convert_element_type3A = arith.extf %get3A_5 : vector<2048x64xbf16> to vector<2048x64xf32>
    %mul3A = vector.broadcast %slice3A : vector<1x64xf32> to vector<2048x64xf32>
    %mul3A_6 = arith.mulf %convert_element_type3A, %mul3A : vector<2048x64xf32>
    %add3A = vector.broadcast %slice3A_2 : vector<1x64xf32> to vector<2048x64xf32>
    %add3A_7 = arith.addf %mul3A_6, %add3A : vector<2048x64xf32>
    %max3A = arith.constant 0.000000e+00 : f32
    %max3A_8 = vector.broadcast %max3A : f32 to vector<2048x64xf32>
    %max3A_9 = arith.maximumf %add3A_7, %max3A_8 : vector<2048x64xf32>
    %get3A_10 = arith.constant 0 : index
    %get3A_11 = arith.constant 0 : index
    %get3A_12 = vector.load %arg3[%get3A_10, %get3A_11] : memref<64x96xf32, #tpu.memory_space<vmem>>, vector<64x96xf32>
    %dot_general3A = arith.constant dense<0.000000e+00> : vector<2048x96xf32>
    %dot_general3A_13 = tpu.matmul %max3A_9, %get3A_12, %dot_general3A {dimension_numbers = #tpu.dot_dimension_numbers<[1], [0], [0], [1], [0, 0, 1, 1], [], []>, transpose_lhs_hint = false} : vector<2048x64xf32>, vector<64x96xf32>, vector<2048x96xf32> -> vector<2048x96xf32>
    %get3A_14 = arith.constant 0 : index
    %get3A_15 = arith.constant 0 : index
    %get3A_16 = vector.load %arg4[%get3A_14, %get3A_15] : memref<8x96xf32, #tpu.memory_space<vmem>>, vector<1x96xf32>
    %add3A_17 = vector.broadcast %get3A_16 : vector<1x96xf32> to vector<2048x96xf32>
    %add3A_18 = arith.addf %dot_general3A_13, %add3A_17 : vector<2048x96xf32>
    %convert_element_type3A_19 = arith.truncf %add3A_18 : vector<2048x96xf32> to vector<2048x96xbf16>
    %swap3A = arith.constant 0 : index
    %swap3A_20 = arith.constant 0 : index
    %swap3A_21 = vector.load %arg5[%swap3A, %swap3A_20] : memref<2048x96xbf16, #tpu.memory_space<vmem>>, vector<2048x96xbf16>
    tpu.vector_store %arg5[%swap3A, %swap3A_20], %convert_element_type3A_19 {strides = array<i32>} : memref<2048x96xbf16, #tpu.memory_space<vmem>>, vector<2048x96xbf16>,
    %eq3A = arith.constant 0 : i32
    %eq3A_22 = arith.cmpi eq, %arg0, %eq3A : i32
    %convert_element_type3A_23 = arith.extui %eq3A_22 : i1 to i32
    %cond3A = arith.constant 0 : i32
    %cond3A_24 = arith.cmpi ne, %convert_element_type3A_23, %cond3A : i32
    scf.if %cond3A_24 {
      %broadcast_in_dim3A_44 = arith.constant 0.000000e+00 : f32
      %broadcast_in_dim3A_45 = vector.broadcast %broadcast_in_dim3A_44 : f32 to vector<8x96xf32>
      %swap3A_46 = arith.constant 0 : index
      %swap3A_47 = arith.constant 0 : index
      %swap3A_48 = vector.load %arg6[%swap3A_46, %swap3A_47] : memref<8x96xf32, #tpu.memory_space<vmem>>, vector<8x96xf32>
      tpu.vector_store %arg6[%swap3A_46, %swap3A_47], %broadcast_in_dim3A_45 {strides = array<i32>} : memref<8x96xf32, #tpu.memory_space<vmem>>, vector<8x96xf32>,
      %broadcast_in_dim3A_49 = arith.constant 0.000000e+00 : f32
      %broadcast_in_dim3A_50 = vector.broadcast %broadcast_in_dim3A_49 : f32 to vector<8x96xf32>
      %swap3A_51 = arith.constant 0 : index
      %swap3A_52 = arith.constant 0 : index
      %swap3A_53 = vector.load %arg7[%swap3A_51, %swap3A_52] : memref<8x96xf32, #tpu.memory_space<vmem>>, vector<8x96xf32>
      tpu.vector_store %arg7[%swap3A_51, %swap3A_52], %broadcast_in_dim3A_50 {strides = array<i32>} : memref<8x96xf32, #tpu.memory_space<vmem>>, vector<8x96xf32>,
    } else {
    }
    %get3A_25 = arith.constant 0 : index
    %get3A_26 = arith.constant 0 : index
    %get3A_27 = vector.load %arg6[%get3A_25, %get3A_26] : memref<8x96xf32, #tpu.memory_space<vmem>>, vector<1x96xf32>
    %reduce_sum3A = arith.constant dense<0.000000e+00> : vector<96xf32>
    %reduce_sum3A_28 = vector.multi_reduction <add>, %add3A_18, %reduce_sum3A [0] : vector<2048x96xf32> to vector<96xf32>
    %broadcast_in_dim3A = vector.shape_cast %reduce_sum3A_28 : vector<96xf32> to vector<1x96xf32>
    %add3A_29 = arith.addf %get3A_27, %broadcast_in_dim3A : vector<1x96xf32>
    %swap3A_30 = arith.constant 0 : index
    %swap3A_31 = arith.constant 0 : index
    %swap3A_32 = vector.load %arg6[%swap3A_30, %swap3A_31] : memref<8x96xf32, #tpu.memory_space<vmem>>, vector<1x96xf32>
    tpu.vector_store %arg6[%swap3A_30, %swap3A_31], %add3A_29 {strides = array<i32>} : memref<8x96xf32, #tpu.memory_space<vmem>>, vector<1x96xf32>,
    %get3A_33 = arith.constant 0 : index
    %get3A_34 = arith.constant 0 : index
    %get3A_35 = vector.load %arg7[%get3A_33, %get3A_34] : memref<8x96xf32, #tpu.memory_space<vmem>>, vector<1x96xf32>
    %mul3A_36 = arith.mulf %add3A_18, %add3A_18 : vector<2048x96xf32>
    %reduce_sum3A_37 = arith.constant dense<0.000000e+00> : vector<96xf32>
    %reduce_sum3A_38 = vector.multi_reduction <add>, %mul3A_36, %reduce_sum3A_37 [0] : vector<2048x96xf32> to vector<96xf32>
    %broadcast_in_dim3A_39 = vector.shape_cast %reduce_sum3A_38 : vector<96xf32> to vector<1x96xf32>
    %add3A_40 = arith.addf %get3A_35, %broadcast_in_dim3A_39 : vector<1x96xf32>
    %swap3A_41 = arith.constant 0 : index
    %swap3A_42 = arith.constant 0 : index
    %swap3A_43 = vector.load %arg7[%swap3A_41, %swap3A_42] : memref<8x96xf32, #tpu.memory_space<vmem>>, vector<1x96xf32>
    tpu.vector_store %arg7[%swap3A_41, %swap3A_42], %add3A_40 {strides = array<i32>} : memref<8x96xf32, #tpu.memory_space<vmem>>, vector<1x96xf32>,
    return
  }
  func.func @transform_0(%arg0: i32) -> (i32, i32) {
    %c0_i32 = arith.constant 0 : i32
    %c0_i32_0 = arith.constant 0 : i32
    return %arg0, %c0_i32 : i32, i32
  }
  func.func @transform_1(%arg0: i32) -> (i32, i32) {
    %c0_i32 = arith.constant 0 : i32
    %c0_i32_0 = arith.constant 0 : i32
    %c0_i32_1 = arith.constant 0 : i32
    return %c0_i32, %c0_i32_0 : i32, i32
  }
  func.func @transform_2(%arg0: i32) -> (i32, i32) {
    %c0_i32 = arith.constant 0 : i32
    %c0_i32_0 = arith.constant 0 : i32
    %c0_i32_1 = arith.constant 0 : i32
    return %c0_i32, %c0_i32_0 : i32, i32
  }
  func.func @transform_3(%arg0: i32) -> (i32, i32) {
    %c0_i32 = arith.constant 0 : i32
    %c0_i32_0 = arith.constant 0 : i32
    %c0_i32_1 = arith.constant 0 : i32
    return %c0_i32, %c0_i32_0 : i32, i32
  }
  func.func @transform_4(%arg0: i32) -> (i32, i32) {
    %c0_i32 = arith.constant 0 : i32
    %c0_i32_0 = arith.constant 0 : i32
    return %arg0, %c0_i32 : i32, i32
  }
  func.func @transform_5(%arg0: i32) -> (i32, i32) {
    %c0_i32 = arith.constant 0 : i32
    %c0_i32_0 = arith.constant 0 : i32
    %c0_i32_1 = arith.constant 0 : i32
    return %c0_i32, %c0_i32_0 : i32, i32
  }
  func.func @transform_6(%arg0: i32) -> (i32, i32) {
    %c0_i32 = arith.constant 0 : i32
    %c0_i32_0 = arith.constant 0 : i32
    %c0_i32_1 = arith.constant 0 : i32
    return %c0_i32, %c0_i32_0 : i32, i32
  }
}

module attributes {stable_mosaic.version = 14 : i64} {
  func.func @_pass_c_body(%arg0: i32, %arg1: memref<128x64x96xbf16, #tpu.memory_space<vmem>>, %arg2: memref<8x96xf32, #tpu.memory_space<vmem>>, %arg3: memref<96x128xf32, #tpu.memory_space<vmem>>, %arg4: memref<8x128xf32, #tpu.memory_space<vmem>>, %arg5: memref<128x128xf32, #tpu.memory_space<vmem>>, %arg6: memref<8x128xf32, #tpu.memory_space<vmem>>, %arg7: memref<8x128xf32, #tpu.memory_space<vmem>>) attributes {dimension_semantics = [#tpu.dimension_semantics<arbitrary>], iteration_bounds = array<i64: 32>, scalar_prefetch = 0 : i64, scratch_operands = 0 : i64, tpu.core_type = #tpu.core_type<tc>, window_params = [{transform_indices = @transform_0, window_bounds = array<i64: 128, 64, 96>}, {pipeline_mode = #tpu.pipeline_mode<synchronous>, transform_indices = @transform_1, window_bounds = array<i64: 8, 96>}, {pipeline_mode = #tpu.pipeline_mode<synchronous>, transform_indices = @transform_2, window_bounds = array<i64: 96, 128>}, {pipeline_mode = #tpu.pipeline_mode<synchronous>, transform_indices = @transform_3, window_bounds = array<i64: 8, 128>}, {transform_indices = @transform_4, window_bounds = array<i64: 128, 128>}, {pipeline_mode = #tpu.pipeline_mode<synchronous>, transform_indices = @transform_5, window_bounds = array<i64: 8, 128>}, {pipeline_mode = #tpu.pipeline_mode<synchronous>, transform_indices = @transform_6, window_bounds = array<i64: 8, 128>}]} {
    %get3A = arith.constant 0 : index
    %get3A_0 = arith.constant 0 : index
    %get3A_1 = vector.load %arg2[%get3A, %get3A_0] : memref<8x96xf32, #tpu.memory_space<vmem>>, vector<8x96xf32>
    %slice3A = vector.extract_strided_slice %get3A_1 {offsets = [0, 0], sizes = [1, 96], strides = [1, 1]} : vector<8x96xf32> to vector<1x96xf32>
    %reshape3A = vector.shape_cast %slice3A : vector<1x96xf32> to vector<1x1x96xf32>
    %slice3A_2 = vector.extract_strided_slice %get3A_1 {offsets = [1, 0], sizes = [1, 96], strides = [1, 1]} : vector<8x96xf32> to vector<1x96xf32>
    %reshape3A_3 = vector.shape_cast %slice3A_2 : vector<1x96xf32> to vector<1x1x96xf32>
    %get3A_4 = arith.constant 0 : index
    %get3A_5 = arith.constant 0 : index
    %get3A_6 = arith.constant 0 : index
    %get3A_7 = vector.load %arg1[%get3A_4, %get3A_5, %get3A_6] : memref<128x64x96xbf16, #tpu.memory_space<vmem>>, vector<128x64x96xbf16>
    %convert_element_type3A = arith.extf %get3A_7 : vector<128x64x96xbf16> to vector<128x64x96xf32>
    %mul3A = vector.broadcast %reshape3A : vector<1x1x96xf32> to vector<128x64x96xf32>
    %mul3A_8 = arith.mulf %convert_element_type3A, %mul3A : vector<128x64x96xf32>
    %add3A = vector.broadcast %reshape3A_3 : vector<1x1x96xf32> to vector<128x64x96xf32>
    %add3A_9 = arith.addf %mul3A_8, %add3A : vector<128x64x96xf32>
    %max3A = arith.constant 0.000000e+00 : f32
    %max3A_10 = vector.broadcast %max3A : f32 to vector<128x64x96xf32>
    %max3A_11 = arith.maximumf %add3A_9, %max3A_10 : vector<128x64x96xf32>
    %reshape3A_12 = vector.shape_cast %max3A_11 : vector<128x64x96xf32> to vector<8192x96xf32>
    %get3A_13 = arith.constant 0 : index
    %get3A_14 = arith.constant 0 : index
    %get3A_15 = vector.load %arg3[%get3A_13, %get3A_14] : memref<96x128xf32, #tpu.memory_space<vmem>>, vector<96x128xf32>
    %dot_general3A = arith.constant dense<0.000000e+00> : vector<8192x128xf32>
    %dot_general3A_16 = tpu.matmul %reshape3A_12, %get3A_15, %dot_general3A {dimension_numbers = #tpu.dot_dimension_numbers<[1], [0], [0], [1], [0, 0, 1, 1], [], []>, transpose_lhs_hint = false} : vector<8192x96xf32>, vector<96x128xf32>, vector<8192x128xf32> -> vector<8192x128xf32>
    %get3A_17 = arith.constant 0 : index
    %get3A_18 = arith.constant 0 : index
    %get3A_19 = vector.load %arg4[%get3A_17, %get3A_18] : memref<8x128xf32, #tpu.memory_space<vmem>>, vector<1x128xf32>
    %add3A_20 = vector.broadcast %get3A_19 : vector<1x128xf32> to vector<8192x128xf32>
    %add3A_21 = arith.addf %dot_general3A_16, %add3A_20 : vector<8192x128xf32>
    %eq3A = arith.constant 0 : i32
    %eq3A_22 = arith.cmpi eq, %arg0, %eq3A : i32
    %convert_element_type3A_23 = arith.extui %eq3A_22 : i1 to i32
    %cond3A = arith.constant 0 : i32
    %cond3A_24 = arith.cmpi ne, %convert_element_type3A_23, %cond3A : i32
    scf.if %cond3A_24 {
      %broadcast_in_dim3A_48 = arith.constant 0.000000e+00 : f32
      %broadcast_in_dim3A_49 = vector.broadcast %broadcast_in_dim3A_48 : f32 to vector<8x128xf32>
      %swap3A_50 = arith.constant 0 : index
      %swap3A_51 = arith.constant 0 : index
      %swap3A_52 = vector.load %arg6[%swap3A_50, %swap3A_51] : memref<8x128xf32, #tpu.memory_space<vmem>>, vector<8x128xf32>
      tpu.vector_store %arg6[%swap3A_50, %swap3A_51], %broadcast_in_dim3A_49 {strides = array<i32>} : memref<8x128xf32, #tpu.memory_space<vmem>>, vector<8x128xf32>,
      %broadcast_in_dim3A_53 = arith.constant 0.000000e+00 : f32
      %broadcast_in_dim3A_54 = vector.broadcast %broadcast_in_dim3A_53 : f32 to vector<8x128xf32>
      %swap3A_55 = arith.constant 0 : index
      %swap3A_56 = arith.constant 0 : index
      %swap3A_57 = vector.load %arg7[%swap3A_55, %swap3A_56] : memref<8x128xf32, #tpu.memory_space<vmem>>, vector<8x128xf32>
      tpu.vector_store %arg7[%swap3A_55, %swap3A_56], %broadcast_in_dim3A_54 {strides = array<i32>} : memref<8x128xf32, #tpu.memory_space<vmem>>, vector<8x128xf32>,
    } else {
    }
    %get3A_25 = arith.constant 0 : index
    %get3A_26 = arith.constant 0 : index
    %get3A_27 = vector.load %arg6[%get3A_25, %get3A_26] : memref<8x128xf32, #tpu.memory_space<vmem>>, vector<1x128xf32>
    %reduce_sum3A = arith.constant dense<0.000000e+00> : vector<128xf32>
    %reduce_sum3A_28 = vector.multi_reduction <add>, %add3A_21, %reduce_sum3A [0] : vector<8192x128xf32> to vector<128xf32>
    %broadcast_in_dim3A = vector.shape_cast %reduce_sum3A_28 : vector<128xf32> to vector<1x128xf32>
    %add3A_29 = arith.addf %get3A_27, %broadcast_in_dim3A : vector<1x128xf32>
    %swap3A = arith.constant 0 : index
    %swap3A_30 = arith.constant 0 : index
    %swap3A_31 = vector.load %arg6[%swap3A, %swap3A_30] : memref<8x128xf32, #tpu.memory_space<vmem>>, vector<1x128xf32>
    tpu.vector_store %arg6[%swap3A, %swap3A_30], %add3A_29 {strides = array<i32>} : memref<8x128xf32, #tpu.memory_space<vmem>>, vector<1x128xf32>,
    %get3A_32 = arith.constant 0 : index
    %get3A_33 = arith.constant 0 : index
    %get3A_34 = vector.load %arg7[%get3A_32, %get3A_33] : memref<8x128xf32, #tpu.memory_space<vmem>>, vector<1x128xf32>
    %mul3A_35 = arith.mulf %add3A_21, %add3A_21 : vector<8192x128xf32>
    %reduce_sum3A_36 = arith.constant dense<0.000000e+00> : vector<128xf32>
    %reduce_sum3A_37 = vector.multi_reduction <add>, %mul3A_35, %reduce_sum3A_36 [0] : vector<8192x128xf32> to vector<128xf32>
    %broadcast_in_dim3A_38 = vector.shape_cast %reduce_sum3A_37 : vector<128xf32> to vector<1x128xf32>
    %add3A_39 = arith.addf %get3A_34, %broadcast_in_dim3A_38 : vector<1x128xf32>
    %swap3A_40 = arith.constant 0 : index
    %swap3A_41 = arith.constant 0 : index
    %swap3A_42 = vector.load %arg7[%swap3A_40, %swap3A_41] : memref<8x128xf32, #tpu.memory_space<vmem>>, vector<1x128xf32>
    tpu.vector_store %arg7[%swap3A_40, %swap3A_41], %add3A_39 {strides = array<i32>} : memref<8x128xf32, #tpu.memory_space<vmem>>, vector<1x128xf32>,
    %reshape3A_43 = vector.shape_cast %add3A_21 : vector<8192x128xf32> to vector<128x64x128xf32>
    %reduce_max3A = arith.constant dense<0xFF800000> : vector<128x128xf32>
    %reduce_max3A_44 = vector.multi_reduction <maximumf>, %reshape3A_43, %reduce_max3A [1] : vector<128x64x128xf32> to vector<128x128xf32>
    %swap3A_45 = arith.constant 0 : index
    %swap3A_46 = arith.constant 0 : index
    %swap3A_47 = vector.load %arg5[%swap3A_45, %swap3A_46] : memref<128x128xf32, #tpu.memory_space<vmem>>, vector<128x128xf32>
    tpu.vector_store %arg5[%swap3A_45, %swap3A_46], %reduce_max3A_44 {strides = array<i32>} : memref<128x128xf32, #tpu.memory_space<vmem>>, vector<128x128xf32>,
    return
  }
  func.func @transform_0(%arg0: i32) -> (i32, i32, i32) {
    %c0_i32 = arith.constant 0 : i32
    %c0_i32_0 = arith.constant 0 : i32
    %c0_i32_1 = arith.constant 0 : i32
    return %arg0, %c0_i32, %c0_i32_0 : i32, i32, i32
  }
  func.func @transform_1(%arg0: i32) -> (i32, i32) {
    %c0_i32 = arith.constant 0 : i32
    %c0_i32_0 = arith.constant 0 : i32
    %c0_i32_1 = arith.constant 0 : i32
    return %c0_i32, %c0_i32_0 : i32, i32
  }
  func.func @transform_2(%arg0: i32) -> (i32, i32) {
    %c0_i32 = arith.constant 0 : i32
    %c0_i32_0 = arith.constant 0 : i32
    %c0_i32_1 = arith.constant 0 : i32
    return %c0_i32, %c0_i32_0 : i32, i32
  }
  func.func @transform_3(%arg0: i32) -> (i32, i32) {
    %c0_i32 = arith.constant 0 : i32
    %c0_i32_0 = arith.constant 0 : i32
    %c0_i32_1 = arith.constant 0 : i32
    return %c0_i32, %c0_i32_0 : i32, i32
  }
  func.func @transform_4(%arg0: i32) -> (i32, i32) {
    %c0_i32 = arith.constant 0 : i32
    %c0_i32_0 = arith.constant 0 : i32
    return %arg0, %c0_i32 : i32, i32
  }
  func.func @transform_5(%arg0: i32) -> (i32, i32) {
    %c0_i32 = arith.constant 0 : i32
    %c0_i32_0 = arith.constant 0 : i32
    %c0_i32_1 = arith.constant 0 : i32
    return %c0_i32, %c0_i32_0 : i32, i32
  }
  func.func @transform_6(%arg0: i32) -> (i32, i32) {
    %c0_i32 = arith.constant 0 : i32
    %c0_i32_0 = arith.constant 0 : i32
    %c0_i32_1 = arith.constant 0 : i32
    return %c0_i32, %c0_i32_0 : i32, i32
  }
}

</mosaic_0001>

<sc_bundles>
// kernel: kernel.17.cloned.1.call-start
scs
__scs_entry_jumppad:
0x0: {  	(pc) =	sbr.rel $0x88, $3  }
0x1: {  	(tag) =	ssettag $0x0;
	lr =	simm.s32 $0x1  }
0x2: {  	[smem:$0x3F7B] =	sst lr;
	_ =	strace $0xD0000000  }
0x3: {  	_ = 	snop  }
0x4: {  	_ = 	snop  }
0x5: {  	_ = 	snop  }
0x6: {  	_ = 	snop  }
0x7: {  	_ = 	snop  }
__scs_overlays_trampoline_lowered:
0x8: {  	[smem:$0x3F8A] =	sst s0  }
0x9: {  	[smem:$0x3F8B] =	sst s1  }
0xa: {  	[smem:$0x3F8C] =	sst s2  }
0xb: {  	[smem:$0x3F8D] =	sst s3  }
0xc: {  	[smem:$0x3F8E] =	sst s4  }
0xd: {  	[smem:$0x3F8F] =	sst s5  }
0xe: {  	[smem:$0x3F90] =	sst s6  }
0xf: {  	[smem:$0x3F91] =	sst s7  }
0x10: {  	[smem:$0x3F92] =	sst s8  }
0x11: {  	[smem:$0x3F93] =	sst s9;
	s0 =	simm.s32 @!p0 $0x0  }
0x12: {  	s1 =	sld [smem:$0x3F79];
	s0 =	simm.s32 @p0 $0x1  }
0x13: {  	[smem:$0x3F94] =	sst s0;
	s0 =	simm.s32 @!p1 $0x0  }
0x14: {  	s2 =	sld [smem:$0x3F78];
	s0 =	simm.s32 @p1 $0x1  }
0x15: {  	[smem:$0x3F95] =	sst s0;
	s0 =	simm.s32 @!p2 $0x0  }
0x16: {  	s3 =	sld [smem:$0x3FDB];
	s0 =	simm.s32 @p2 $0x1  }
0x17: {  	s4 =	simm.s32 $0x1BF5;
	[smem:$0x3F97] =	sst s0  }
0x18: {  	s0 =	sld [smem:$0x3F7A];
	_ =	swait.ge [sflag:s4], $0x0  }
0x19: {  	s7 =	sld [smem:$0x3F7B]  }
0x1a: {  	s8 =	sadd.s32 $0xFFFFE003, lr  }
0x1b: {  	s9 =	sadd.s32 $0xFFFFFEF7, lr;
	s5 =	simm.s32 $0xFFFFFFFF;
	p2 =	slt.u32 s8, $0xFFFFF086  }
0x1c: {  	p1 =	slt.u32 s9, $0xF7A;
	s5 =	simm.s32 @!p2 $0x0  }
0x1d: {  	s5 =	simm.s32 @p1 $0x1;
	p0 =	seq.s32 s7, s2  }
0x1e: {  	s7 =	smul.u32 @!p0 $0xF7A, s2;
	p2 =	seq.s32 @!p0 s5, $0x0  }
0x1f: {  	s9 =	smul.u32 $0xF7A, s1;
	s8 =	simm.s32 @!p0 $0x1BF5;
	p2 =	por !p2, p0  }
0x20: {  	[sflag:s8] =	ssyncset.s32 @!p0 $0xFFFFF086;
	s6 =	sadd.s32 @!p0 s3, s7;
	s7 =	simm.s32 @!p0 $0x108  }
0x21: {  	s3 =	sadd.s32 s3, s9;
	s6 =	sadd.s32 @!p0 $0x88, s6;
	s7 =	simm.s32 @p2 $0x1082  }
0x22: {  	[simem:s7], [sflag:s8] =	dma.local @!p0 [hbm:s6], $0xF7A  }
0x23: {  	s9 =	sor.u32 $0xD0000000, s2;
	s6 =	simm.s32 $0x108;
	_ =	swait.ge @!p0 [sflag:s8], $0x0  }
0x24: {  	s3 =	sadd.s32 $0x88, s3;
	s6 =	simm.s32 @!p1 $0x1082;
	[sflag:s4] =	ssyncset.s32 $0xFFFFF086  }
0x25: {  	[simem:s6], [sflag:s4] =	dma.local [hbm:s3], $0xF7A  }
0x26: {  	[smem:$0x3F7B] =	sst s1;
	(tag) =	ssettag s2;
	_ =	strace s9  }
0x27: {  	s1 =	sld [smem:$0x3F8B]  }
0x28: {  	s2 =	sld [smem:$0x3F8C]  }
0x29: {  	s4 =	sld [smem:$0x3F8E]  }
0x2a: {  	p0 =	seq.s32 s5, $0x0;
	s5 =	sld [smem:$0x3F8F]  }
0x2b: {  	s6 =	sld [smem:$0x3F90]  }
0x2c: {  	s7 =	sld [smem:$0x3F91]  }
0x2d: {  	s3 =	simm.s32 $0x108;
	s8 =	sld [smem:$0x3F92]  }
0x2e: {  	s3 =	simm.s32 @!p0 $0x1082;
	s9 =	sld [smem:$0x3F93]  }
0x2f: {  	lr =	sadd.s32 s0, s3;
	s0 =	sld [smem:$0x3F8A]  }
0x30: {  	s3 =	sld [smem:$0x3F8D]  }
0x31: {  	[smem:$0x3F96] =	sst s10  }
0x32: {  	s10 =	sld [smem:$0x3F94];
	_ =	sdelay $0x3  }
0x33: {  	p0 =	seq.s32 s10, $0x1;
	s10 =	sld [smem:$0x3F96];
	_ =	sdelay $0x3  }
0x34: {  	[smem:$0x3F96] =	sst s10  }
0x35: {  	s10 =	sld [smem:$0x3F95];
	_ =	sdelay $0x3  }
0x36: {  	p1 =	seq.s32 s10, $0x1;
	s10 =	sld [smem:$0x3F96];
	_ =	sdelay $0x3  }
0x37: {  	[smem:$0x3F96] =	sst s10  }
0x38: {  	s10 =	sld [smem:$0x3F97]  }
0x39: {  	_ = 	snop;
	(pc) =	sbr.ind lr, $3  }
0x3a: {  	_ = 	snop  }
0x3b: {  	_ = 	snop  }
0x3c: {  	p2 =	seq.s32 s10, $0x1;
	s10 =	sld [smem:$0x3F96]  }
0x3d: {  	_ =	shalt  }
0x3e: {  	_ =	shalt  }
0x3f: {  	_ =	shalt  }
0x40: {  	_ =	shalt  }
0x41: {  	_ =	shalt  }
0x42: {  	_ =	shalt  }
0x43: {  	_ =	shalt  }
0x44: {  	_ =	shalt  }
0x45: {  	_ =	shalt  }
0x46: {  	_ =	shalt  }
0x47: {  	_ =	shalt  }
0x48: {  	_ =	shalt  }
0x49: {  	_ =	shalt  }
0x4a: {  	_ =	shalt  }
0x4b: {  	_ =	shalt  }
0x4c: {  	_ =	shalt  }
0x4d: {  	_ =	shalt  }
0x4e: {  	_ =	shalt  }
0x4f: {  	_ =	shalt  }
0x50: {  	_ =	shalt  }
0x51: {  	_ =	shalt  }
0x52: {  	_ =	shalt  }
0x53: {  	_ =	shalt  }
0x54: {  	_ =	shalt  }
0x55: {  	_ =	shalt  }
0x56: {  	_ =	shalt  }
0x57: {  	_ =	shalt  }
0x58: {  	_ =	shalt  }
0x59: {  	_ =	shalt  }
0x5a: {  	_ =	shalt  }
0x5b: {  	_ =	shalt  }
0x5c: {  	_ =	shalt  }
0x5d: {  	_ =	shalt  }
0x5e: {  	_ =	shalt  }
0x5f: {  	_ =	shalt  }
0x60: {  	_ =	shalt  }
0x61: {  	_ =	shalt  }
0x62: {  	_ =	shalt  }
0x63: {  	_ =	shalt  }
0x64: {  	_ =	shalt  }
0x65: {  	_ =	shalt  }
0x66: {  	_ =	shalt  }
0x67: {  	_ =	shalt  }
0x68: {  	_ =	shalt  }
0x69: {  	_ =	shalt  }
0x6a: {  	_ =	shalt  }
0x6b: {  	_ =	shalt  }
0x6c: {  	_ =	shalt  }
0x6d: {  	_ =	shalt  }
0x6e: {  	_ =	shalt  }
0x6f: {  	_ =	shalt  }
0x70: {  	_ =	shalt  }
0x71: {  	_ =	shalt  }
0x72: {  	_ =	shalt  }
0x73: {  	_ =	shalt  }
0x74: {  	_ =	shalt  }
0x75: {  	_ =	shalt  }
0x76: {  	_ =	shalt  }
0x77: {  	_ =	shalt  }
0x78: {  	_ =	shalt  }
0x79: {  	_ =	shalt  }
0x7a: {  	_ =	shalt  }
0x7b: {  	_ =	shalt  }
0x7c: {  	_ =	shalt  }
0x7d: {  	_ =	shalt  }
0x7e: {  	_ =	shalt  }
0x7f: {  	_ =	shalt  }
0x80: {  	_ =	shalt  }
0x81: {  	_ =	shalt  }
0x82: {  	_ =	shalt  }
0x83: {  	_ =	shalt  }
0x84: {  	_ =	shalt  }
0x85: {  	_ =	shalt  }
0x86: {  	_ =	shalt  }
0x87: {  	_ =	shalt  }
.Lfunc_end0:
.L_simem_size_0:
called_computation_lowered:
.L_overlay_start_0:
0x88: {  	s2 =	sld [smem:$0x3FD9]  }
0x89: {  	s3 =	sld [smem:$0x3FFE];
	_ =	sdelay $0x1  }
0x8a: {  	s1 =	srdreg.scid  }
0x8b: {  	s0 =	sand.u32 $0x1, s1  }
0x8c: {  	s14 =	sshll.u32 s0, $0xA;
	s2 =	sadd.s32 s3, s2  }
0x8d: {  	s2 =	sadd.s32 s2, s14  }
0x8e: {  	[smem:$0x3FA2] =	sst s2  }
0x8f: {  	_ = 	snop  }
0x90: {  	s2 =	sld [smem:$0x3FD0];
	_ =	sdelay $0x2  }
0x91: {  	s15 =	simm.s32 $0xA;
	s4 =	simm.s32 $0x10  }
0x92: {  	[smem:s4], [sflag:s15] =	dma.local [hbm:s2], $0x1  }
0x93: {  	_ =	swait.eq [sflag:s15], $0x1  }
0x94: {  	[sflag:s15] =	ssyncset.done $0x0  }
0x95: {  	[sflag:s15] =	ssyncadd.s32 $0xFFFFFFFF  }
0x96: {  	s16 =	sld [smem:$0x11];
	(tm) =	ssettm $0x1  }
0x97: {  	s17 =	sld [smem:$0x3FFB];
	_ =	sdelay $0x3  }
0x98: {  	_ =	strace s17  }
0x99: {  	s3 =	sld [smem:$0x3FFC];
	_ =	sdelay $0x3  }
0x9a: {  	_ =	strace s3  }
0x9b: {  	s3 =	sld [smem:$0x3FFD];
	_ =	sdelay $0x3  }
0x9c: {  	_ =	strace s3  }
0x9d: {  	_ =	strace $0x8FFFFFFF  }
0x9e: {  	s18 =	sld [smem:$0x3FDB];
	_ =	sdelay $0x1  }
0x9f: {  	s19 =	simm.s32 $_scs_section_size  }
0xa0: {  	s5 =	simm.s32 $_size__tile_overlayer_lowered;
	s6 =	simm.s32 $_tile_overlayer_lowered  }
0xa1: {  	s22 =	simm.s32 $0x1BFF;
	s21 =	sshll.u32 s6, $0x1;
	s3 =	sadd.s32 s19, s18  }
0xa2: {  	s7 =	simm.s32 $0x0;
	s20 =	sshll.u32 s5, $0x1;
	s5 =	sadd.s32 s21, s3  }
0xa3: {  	[timem:s7], [sflag:s22] =	dma.local [hbm:s5], s20  }
0xa4: {  	_ =	swait.ge [sflag:s22], s20  }
0xa5: {  	s4 =	ssub.s32 $0x0, s20;
	[sflag:s22] =	ssyncset.done $0x0  }
0xa6: {  	[sflag:s22] =	ssyncadd.s32 s4;
	_ =	sdelay $0x1  }
0xa7: {  	s23 =	simm.s32 $0x1B8B  }
0xa8: {  	_ =	swait.ge [sflag:s23], $0x1  }
0xa9: {  	[sflag:s23] =	ssyncset.done $0x0  }
0xaa: {  	s25 =	simm.s32 $0x1B8E;
	s24 =	sld [smem:$0x3FFE];
	[sflag:s23] =	ssyncadd.s32 $0xFFFFFFFF  }
0xab: {  	s26 =	simm.s32 $execute0_lowered;
	[smem:$0x3FD2] =	sst s25  }
0xac: {  	s5 =	sshll.u32 s26, $0x1;
	_ =	strace $0x80000046;
	[dreg:$0x1] =	wrdreg $0xFFFFFFFF  }
0xad: {  	s28 =	simm.s32 $_size_execute0_lowered;
	s3 =	sadd.s32 s3, s5;
	[dreg:$0x0] =	wrdreg $0x0  }
0xae: {  	s5 =	sshll.u32 s28, $0x1;
	[dreg:$0x2] =	wrdreg s3  }
0xaf: {  	[dreg:$0x3] =	wrdreg s5  }
0xb0: {  	[dreg:$0x4] =	wrdreg $0xC0  }
0xb1: {  	_ =	task [dreg:s7], $0x5FFFF  }
0xb2: {  	[dreg:$0x1] =	wrdreg $0xFFFFFFFF  }
0xb3: {  	[dreg:$0x0] =	wrdreg $0x60  }
0xb4: {  	[dreg:$0x2] =	wrdreg s24  }
0xb5: {  	[dreg:$0x3] =	wrdreg s16  }
0xb6: {  	[dreg:$0x4] =	wrdreg $0x9  }
0xb7: {  	_ =	task.clear_ibuf [dreg:s7], $0x5FFFF;
	_ =	strace $0x90000046  }
0xb8: {  	s29 =	simm.s32 $0x9;
	_ =	strace $0x80000048  }
0xb9: {  	_ =	swait.ge [sflag:s29], $0x1  }
0xba: {  	[sflag:s29] =	ssyncadd.s32 $0xFFFFFFFF  }
0xbb: {  	_ =	strace $0x90000048  }
0xbc: {  	_ =	sfence  }
0xbd: {  	s30 =	sld [smem:$0x0];
	_ =	sdelay $0x2  }
0xbe: {  	s31 =	sshll.u32 s1, $0xD;
	s1 =	sshrl.u32 s1, $0x2  }
0xbf: {  	s3 =	sand.u32 $0x4000, s31;
	s1 =	sadd.s32 s1, s30  }
0xc0: {  	s0 =	sor.u32 s3, s0;
	s1 =	sshll.u32 s1, $0x11  }
0xc1: {  	s0 =	sor.u32 s1, s0  }
0xc2: {  	s0 =	sadd.s32 $0x8F2B, s0  }
0xc3: {  	[sflag:s0] =	ssyncadd.remote.s32 $0x1  }
0xc4: {  	_ =	sfence.sel $0xFFFF  }
0xc5: {  	[dreg:$0x0] =	wrdreg $0xFFFFFFFF;
	(pc) =	sbr.abs _section_cstart, $3  }
0xc6: {  	[dreg:$0x1] =	wrdreg $0xFFFFFFFF  }
0xc7: {  	_ =	task.clear_ibuf [dreg:s7], $0x2FFFF;
	_ =	strace $0x9FFFFFFF  }
0xc8: {  	(tm) =	ssettm $0x7FFFFFFF  }
0xc9: {  	_ =	shalt  }
tec
execute0_lowered:
.L_overlay_start_1:
0x0: {  	(tag) =	ssettag $0x1  }
0x1: {  	s4 =	rddreg [dreg:$0x0]  }
0x2: {  	s5 =	rddreg [dreg:$0x1]  }
0x3: {  	s0 =	rddreg [dreg:$0x2];
	s3 =	srdreg.scid  }
0x4: {  	s2 =	simm.s32 $0x0;
	s1 =	stileid.u32;
	s13 =	simm.s32 $0x1  }
0x5: {  	s14 =	simm.s32 $0x3;
	s15 =	simm.s32 $0x2;
	s16 =	simm.s32 $0x4  }
0x6: {  	s17 =	simm.s32 $0x0;
	s6 =	sand.u32 $0x1, s3;
	[smem:$0x7FF] =	sst s2  }
0x7: {  	s7 =	sshll.u32 s1, $0xE;
	s3 =	sadd.s32 $0x7200, s4;
	s29 =	sadd.s32 $0x37200, s4  }
0x8: {  	s11 =	smul.u32 $0x18000, s1;
	s8 =	sshll.u32 s6, $0xD;
	_ =	strace $0x80000047  }
0x9: {  	s30 =	ssub.s32 $0x2, s6;
	s12 =	smul.u32 $0xC000, s6;
	s7 =	sor.u32 s8, s7  }
0xa: {  	s10 =	sshrl.u32 s30, $0x1;
	s8 =	sadd.s32 s11, s29;
	s11 =	simm.s32 $0x2000  }
0xb: {  	s9 =	smul.u32 $0x6, s7;
	s7 =	sshrl.u32 s7, $0x3;
	s10 =	ssub.s32 s30, s10  }
0xc: {  	s8 =	sadd.s32 s12, s8;
	s12 =	simm.s32 $0x3800;
	s4 =	sadd.s32 s5, s7  }
0xd: {  	s5 =	smax.u32 s10, $0x1;
	s10 =	simm.s32 $0x80;
	s31 =	sadd.s32 s29, s9  }
0xe: {  	s9 =	simm.s32 $0x5;
	s6 =	sadd.s32 $0xBA00, s31;
	s7 =	sadd.s32 $0xBD00, s31  }
.LBB2_1:
0xf: {  	[tilespmem:s2], [sflag:$0x5] =	stream.linear.gather [hbm4b:s4+s2], $0x2000, $0x38;
	[tilespmem:$0x5000] =	vst v63  }
0x10: {  	_ =	swait.ge [sflag:s9], $0x2000  }
0x11: {  	[sflag:s9] =	ssyncset.done $0x0  }
0x12: {  	[sflag:s9] =	ssyncadd.s32 $0xFFFFE000  }
0x13: {  	[tilespmem:s11], [sflag:$0x1] =	stream.indirect.gather [hbm4b:s3+s10], $0x30, s2, s10, $0xb8;
	[tilespmem:$0x5000] =	vst v63  }
0x14: {  	_ = 	snop  }
0x15: {  	[tilespmem:s12], [sflag:$0x2] =	stream.indirect.gather [hbm4b:s3+s10], $0x30, s10, s10, $0xb8;
	[tilespmem:$0x5000] =	vst v63  }
0x16: {  	_ =	swait.ge [sflag:s13], $0x1800  }
0x17: {  	[sflag:s13] =	ssyncset.done $0x0  }
0x18: {  	s18 =	sadd.s32 $0x0, s8;
	[sflag:s13] =	ssyncadd.s32 $0xFFFFE800  }
0x19: {  	[hbm4b:s18+s2] =	stream.linear.scatter [tilespmem:s11], [sflag:$0x3], $0x1800, $0x38;
	[tilespmem:$0x5000] =	vst v63  }
0x1a: {  	_ =	swait.ge [sflag:s14], $0x1800  }
0x1b: {  	[sflag:s14] =	ssyncset.done $0x0  }
0x1c: {  	s19 =	simm.s32 $0x100;
	[sflag:s14] =	ssyncadd.s32 $0xFFFFE800  }
0x1d: {  	[tilespmem:s11], [sflag:$0x1] =	stream.indirect.gather [hbm4b:s3+s10], $0x30, s19, s10, $0xb8;
	[tilespmem:$0x5000] =	vst v63  }
0x1e: {  	_ =	swait.ge [sflag:s15], $0x1800  }
0x1f: {  	[sflag:s15] =	ssyncset.done $0x0  }
0x20: {  	s18 =	sadd.s32 $0x300, s18;
	[sflag:s15] =	ssyncadd.s32 $0xFFFFE800  }
0x21: {  	[hbm4b:s18+s2] =	stream.linear.scatter [tilespmem:s12], [sflag:$0x4], $0x1800, $0x38;
	[tilespmem:$0x5000] =	vst v63  }
0x22: {  	_ =	swait.ge [sflag:s16], $0x1800  }
0x23: {  	s20 =	simm.s32 $0x280;
	[sflag:s16] =	ssyncset.done $0x0  }
0x24: {  	s19 =	simm.s32 $0x600;
	s18 =	simm.s32 $0x180;
	[sflag:s16] =	ssyncadd.s32 $0xFFFFE800  }
.LBB2_2:
0x25: {  	[tilespmem:s12], [sflag:$0x2] =	stream.indirect.gather [hbm4b:s3+s10], $0x30, s18, s10, $0xb8;
	[tilespmem:$0x5000] =	vst v63  }
0x26: {  	s21 =	smov.u32 s19;
	s18 =	smov.u32 s20  }
0x27: {  	p0 =	sne.s32 s19, $0xB400;
	s19 =	sadd.s32 $0x600, s19;
	_ =	swait.ge [sflag:s13], $0x1800  }
0x28: {  	[sflag:s13] =	ssyncset.done $0x0  }
0x29: {  	s21 =	sadd.s32 s21, s8;
	[sflag:s13] =	ssyncadd.s32 $0xFFFFE800  }
0x2a: {  	[hbm4b:s21+s2] =	stream.linear.scatter [tilespmem:s11], [sflag:$0x3], $0x1800, $0x38;
	[tilespmem:$0x5000] =	vst v63  }
0x2b: {  	_ =	swait.ge [sflag:s14], $0x1800  }
0x2c: {  	[sflag:s14] =	ssyncset.done $0x0  }
0x2d: {  	s22 =	sadd.s32 $0xFFFFFF80, s20;
	[sflag:s14] =	ssyncadd.s32 $0xFFFFE800  }
0x2e: {  	[tilespmem:s11], [sflag:$0x1] =	stream.indirect.gather [hbm4b:s3+s10], $0x30, s22, s10, $0xb8;
	[tilespmem:$0x5000] =	vst v63  }
0x2f: {  	_ =	swait.ge [sflag:s15], $0x1800  }
0x30: {  	[sflag:s15] =	ssyncset.done $0x0  }
.Ltmp0:
0x31: {  	s21 =	sadd.s32 $0x300, s21;
	[sflag:s15] =	ssyncadd.s32 $0xFFFFE800;
	(pc) =	sbr.rel @p0 .LBB2_2-.Ltmp0, $4  }
0x32: {  	[hbm4b:s21+s2] =	stream.linear.scatter [tilespmem:s12], [sflag:$0x4], $0x1800, $0x38;
	[tilespmem:$0x5000] =	vst v63  }
0x33: {  	_ =	swait.ge [sflag:s16], $0x1800  }
0x34: {  	[sflag:s16] =	ssyncset.done $0x0  }
0x35: {  	s20 =	sadd.s32 $0x100, s20;
	[sflag:s16] =	ssyncadd.s32 $0xFFFFE800  }
0x36: {  	[tilespmem:s12], [sflag:$0x2] =	stream.indirect.gather [hbm4b:s3+s10], $0x30, s18, s10, $0xb8;
	[tilespmem:$0x5000] =	vst v63  }
0x37: {  	_ =	swait.ge [sflag:s13], $0x1800  }
0x38: {  	[sflag:s13] =	ssyncset.done $0x0  }
0x39: {  	[sflag:s13] =	ssyncadd.s32 $0xFFFFE800  }
0x3a: {  	[hbm4b:s6+s2] =	stream.linear.scatter [tilespmem:s11], [sflag:$0x3], $0x1800, $0x38;
	[tilespmem:$0x5000] =	vst v63  }
0x3b: {  	_ =	swait.ge [sflag:s14], $0x1800  }
0x3c: {  	[sflag:s14] =	ssyncset.done $0x0  }
0x3d: {  	[sflag:s14] =	ssyncadd.s32 $0xFFFFE800  }
0x3e: {  	s17 =	sadd.s32 $0x1, s17;
	_ =	swait.ge [sflag:s15], $0x1800  }
0x3f: {  	p0 =	sne.s32 s17, s5;
	[sflag:s15] =	ssyncset.done $0x0  }
.Ltmp1:
0x40: {  	[sflag:s15] =	ssyncadd.s32 $0xFFFFE800;
	(pc) =	sbr.rel @p0 .LBB2_1-.Ltmp1, $4  }
0x41: {  	[hbm4b:s7+s2] =	stream.linear.scatter [tilespmem:s12], [sflag:$0x4], $0x1800, $0x38;
	[tilespmem:$0x5000] =	vst v63  }
0x42: {  	_ =	swait.ge [sflag:s16], $0x1800  }
0x43: {  	[sflag:s16] =	ssyncset.done $0x0  }
0x44: {  	[sflag:s16] =	ssyncadd.s32 $0xFFFFE800  }
0x45: {  	_ =	sfence.sel $0x180000  }
0x46: {  	[bflag:$0x0] =	sbarrier.arrive $0xFFFF  }
0x47: {  	p0 =	sne.s32 s1, $0x0;
	_ =	strace $0x90000047  }
0x48: {  	s0 =	sadd.s32 @!p0 $0x100000, s0;
	[bflag:$0x2] =	sbarrier.arrive $0xFFFF  }
0x49: {  	[sflag:s0] =	ssyncadd.tile.s32 @!p0 $0x1;
	_ =	shalt  }
.Lfunc_end2:
_tile_overlayer_lowered:
.L_overlay_start_2:
0x4a: {  	(tag) =	ssettag $0x2  }
0x4b: {  	s0 =	rddreg [dreg:$0x0];
	s2 =	stileid.u32  }
0x4c: {  	s1 =	rddreg [dreg:$0x1];
	p0 =	sne.s32 s2, $0x0  }
0x4d: {  	s3 =	rddreg [dreg:$0x2];
	[bflag:$0x3] =	sbarrier.arrive $0xFFFF;
	s2 =	simm.s32 @!p0 $0x1C05  }
0x4e: {  	[timem:s3], [sflag:s2] =	dma.local @!p0 [hbm:s0], s1  }
0x4f: {  	s0 =	simm.s32 @!p0 $0x5  }
0x50: {  	_ =	swait.ge @!p0 [sflag:s0], s1  }
0x51: {  	s1 =	ssub.s32 @!p0 $0x0, s1;
	[sflag:s0] =	ssyncset.done @!p0 $0x0  }
0x52: {  	[sflag:s0] =	ssyncadd.s32 @!p0 s1  }
0x53: {  	[bflag:$0x3] =	sbarrier.arrive $0xFFFF  }
0x54: {  	_ =	shalt  }

</sc_bundles>
